<compile_context>
chip_gen: v7x
topology: tpu7x:2x2x1
jax: 0.10.2.dev20260603
libtpu: 0.0.44.dev20260713+nightly
codegen_flags: <defaults>
</compile_context>

<pallas_src>
import functools

import jax
import jax.numpy as jnp
from jax import lax
from jax.experimental import pallas as pl
from jax.experimental.pallas import tpu as pltpu
from jax.experimental.pallas import tpu_sc as plsc

_NC = 2
_NS = 16
_NW = _NC * _NS


def _make_sc_broadcast(batch: int, rows: int, dim: int):
    rows_per_w = rows // _NW
    sizes = [8, 64, 32, 64, 32, 56]
    assert sum(sizes) == rows_per_w
    chunks = []
    off = 0
    for size in sizes:
        chunks.append((off, size))
        off += size
    nchunk = len(chunks)
    mesh = plsc.VectorSubcoreMesh(core_axis_name="c", subcore_axis_name="s")

    @functools.partial(
        pl.kernel,
        out_type=jax.ShapeDtypeStruct((batch, rows, dim), jnp.float32),
        mesh=mesh,
        scratch_types=[
            pltpu.VMEM((32, dim), jnp.float32),
            pltpu.VMEM((64, dim), jnp.float32),
            pltpu.SemaphoreType.DMA,
            pltpu.SemaphoreType.DMA,
            pltpu.SemaphoreType.DMA,
            pltpu.SemaphoreType.DMA,
        ],
    )
    def sc_broadcast(table_hbm, out_hbm, buf_a, buf_b, rsem0, rsem1, wsem0, wsem1):
        wid = lax.axis_index("s") * _NC + lax.axis_index("c")
        base = wid * rows_per_w
        bufs = (buf_a, buf_b)
        rsems = (rsem0, rsem1)
        wsems = (wsem0, wsem1)

        def start_read(c):
            off, size = chunks[c]
            s = c % 2
            return pltpu.async_copy(
                table_hbm.at[pl.ds(base + off, size)],
                bufs[s].at[pl.ds(0, size)],
                rsems[s],
            )

        reads = [None] * nchunk
        writes = [None] * nchunk
        reads[0] = start_read(0)
        for c in range(nchunk):
            off, size = chunks[c]
            s = c % 2
            if c + 1 < nchunk:
                if c >= 1:
                    for h in writes[c - 1]:
                        h.wait()
                reads[c + 1] = start_read(c + 1)
            reads[c].wait()
            writes[c] = [
                pltpu.async_copy(
                    bufs[s].at[pl.ds(0, size)],
                    out_hbm.at[b, pl.ds(base + off, size)],
                    wsems[s],
                )
                for b in range(batch)
            ]
        for c in range(max(0, nchunk - 2), nchunk):
            for h in writes[c]:
                h.wait()

    return sc_broadcast


def kernel(x, pos_embedding_weight):
    batch, seq_len = x.shape
    rows, dim = pos_embedding_weight.shape
    fn = _make_sc_broadcast(batch, rows, dim)
    return fn(pos_embedding_weight)

# --- scband reference (transcript-rebuilt; emitter-appended) ---
"""Pipeline reference for scband-postional-embedding-53798760350255 (READ-ONLY COPY).

The authoritative reference and input builder live on the scoring server;
editing this copy changes nothing except your own understanding.
"""

import jax, jax.numpy as jnp
import numpy as np

CONTEXT_LENGTH = 8192
EMBED_DIM = 1024
BATCH = 4
SEQ_LEN = 8192


def setup_inputs(seed: int = 0) -> dict:
    key = jax.random.key(seed)
    k_x, k_w = jax.random.split(key)
    x = jax.random.randint(k_x, (BATCH, SEQ_LEN), 0, CONTEXT_LENGTH, dtype=jnp.int64 if jax.config.jax_enable_x64 else jnp.int32)
    pos_embedding_weight = jax.random.normal(k_w, (CONTEXT_LENGTH, EMBED_DIM), dtype=jnp.float32) * 0.02
    return {"x": x, "pos_embedding_weight": pos_embedding_weight}


def reference(x, pos_embedding_weight):
    batch_size, seq_len = x.shape
    positions = jnp.arange(seq_len)
    positions = jnp.broadcast_to(positions[None, :], (batch_size, seq_len))
    # embedding lookup: gather rows of the table
    out = jnp.take(pos_embedding_weight, positions, axis=0)
    return out

if __name__ == "__main__":
    import jax
    _d = setup_inputs()
    print(jax.jit(kernel)(*tuple(_d.values())))

</pallas_src>

<mosaic_0001>
#map = affine_map<(d0, d1) -> (0, 0)>
#map1 = affine_map<(d0, d1) -> (0, 0, 0)>
module attributes {stable_mosaic.version = 14 : i64} {
  func.func @sc_broadcast(%arg0: i32, %arg1: i32, %arg2: memref<8192x1024xf32, #tpu.memory_space<hbm>>, %arg3: memref<4x8192x1024xf32, #tpu.memory_space<hbm>>, %arg4: memref<32x1024xf32, #tpu.memory_space<vmem>>, %arg5: memref<64x1024xf32, #tpu.memory_space<vmem>>, %arg6: memref<!tpu.dma_semaphore, #tpu.memory_space<semaphore_mem>>, %arg7: memref<!tpu.dma_semaphore, #tpu.memory_space<semaphore_mem>>, %arg8: memref<!tpu.dma_semaphore, #tpu.memory_space<semaphore_mem>>, %arg9: memref<!tpu.dma_semaphore, #tpu.memory_space<semaphore_mem>>) attributes {dimension_semantics = [#tpu.dimension_semantics<core_parallel>, #tpu.dimension_semantics<subcore_parallel>], iteration_bounds = array<i64: 2, 16>, scalar_prefetch = 0 : i64, scratch_operands = 6 : i64, tpu.core_type = #tpu.core_type<sc_vector_subcore>, window_params = [{transform_indices = #map}, {transform_indices = #map1}]} {
    %mul3A = arith.constant 2 : i32
    %mul3A_0 = arith.muli %arg1, %mul3A : i32
    %add3A = arith.addi %mul3A_0, %arg0 : i32
    %mul3A_1 = arith.constant 256 : i32
    %mul3A_2 = arith.muli %add3A, %mul3A_1 : i32
    %add3A_3 = arith.constant 0 : i32
    %add3A_4 = arith.addi %mul3A_2, %add3A_3 : i32
    %dma_start3A = arith.constant 0 : i32
    %dma_start3A_5 = arith.constant 0 : i32
    %dma_start3A_6 = tpu.memref_slice %arg4[%dma_start3A, %dma_start3A_5] : memref<32x1024xf32, #tpu.memory_space<vmem>> -> memref<8x1024xf32, #tpu.memory_space<vmem>>
    %dma_start3A_7 = arith.constant 0 : i32
    %dma_start3A_8 = tpu.memref_slice %arg2[%add3A_4, %dma_start3A_7] : memref<8192x1024xf32, #tpu.memory_space<hbm>> -> memref<8x1024xf32, #tpu.memory_space<hbm>>
    %dma_start3A_9 = arith.constant 0 : i32
    %dma_start3A_10 = arith.constant 0 : i32
    %dma_start3A_11 = tpu.memref_slice %arg4[%dma_start3A_9, %dma_start3A_10] : memref<32x1024xf32, #tpu.memory_space<vmem>> -> memref<8x1024xf32, #tpu.memory_space<vmem>>
    %dma_start3A_12 = arith.constant 0 : i32
    %dma_start3A_13 = tpu.memref_slice %arg2[%add3A_4, %dma_start3A_12] : memref<8192x1024xf32, #tpu.memory_space<hbm>> -> memref<8x1024xf32, #tpu.memory_space<hbm>>
    tpu.enqueue_dma source(%dma_start3A_13 : memref<8x1024xf32, #tpu.memory_space<hbm>>) target(%dma_start3A_11 : memref<8x1024xf32, #tpu.memory_space<vmem>>) target_semaphore(%arg6 : memref<!tpu.dma_semaphore, #tpu.memory_space<semaphore_mem>>)
    %add3A_14 = arith.constant 8 : i32
    %add3A_15 = arith.addi %mul3A_2, %add3A_14 : i32
    %dma_start3A_16 = arith.constant 0 : i32
    %dma_start3A_17 = arith.constant 0 : i32
    %dma_start3A_18 = tpu.memref_slice %arg5[%dma_start3A_16, %dma_start3A_17] : memref<64x1024xf32, #tpu.memory_space<vmem>> -> memref<64x1024xf32, #tpu.memory_space<vmem>>
    %dma_start3A_19 = arith.constant 0 : i32
    %dma_start3A_20 = tpu.memref_slice %arg2[%add3A_15, %dma_start3A_19] : memref<8192x1024xf32, #tpu.memory_space<hbm>> -> memref<64x1024xf32, #tpu.memory_space<hbm>>
    %dma_start3A_21 = arith.constant 0 : i32
    %dma_start3A_22 = arith.constant 0 : i32
    %dma_start3A_23 = tpu.memref_slice %arg5[%dma_start3A_21, %dma_start3A_22] : memref<64x1024xf32, #tpu.memory_space<vmem>> -> memref<64x1024xf32, #tpu.memory_space<vmem>>
    %dma_start3A_24 = arith.constant 0 : i32
    %dma_start3A_25 = tpu.memref_slice %arg2[%add3A_15, %dma_start3A_24] : memref<8192x1024xf32, #tpu.memory_space<hbm>> -> memref<64x1024xf32, #tpu.memory_space<hbm>>
    tpu.enqueue_dma source(%dma_start3A_25 : memref<64x1024xf32, #tpu.memory_space<hbm>>) target(%dma_start3A_23 : memref<64x1024xf32, #tpu.memory_space<vmem>>) target_semaphore(%arg7 : memref<!tpu.dma_semaphore, #tpu.memory_space<semaphore_mem>>)
    %dma_wait3A = arith.constant 0 : i32
    %dma_wait3A_26 = arith.constant 0 : i32
    %dma_wait3A_27 = tpu.memref_slice %arg4[%dma_wait3A, %dma_wait3A_26] : memref<32x1024xf32, #tpu.memory_space<vmem>> -> memref<8x1024xf32, #tpu.memory_space<vmem>>
    %dma_wait3A_28 = arith.constant 0 : i32
    %dma_wait3A_29 = tpu.memref_slice %arg2[%add3A_4, %dma_wait3A_28] : memref<8192x1024xf32, #tpu.memory_space<hbm>> -> memref<8x1024xf32, #tpu.memory_space<hbm>>
    %dma_wait3A_30 = arith.constant 0 : i32
    %dma_wait3A_31 = arith.constant 0 : i32
    %dma_wait3A_32 = tpu.memref_slice %arg4[%dma_wait3A_30, %dma_wait3A_31] : memref<32x1024xf32, #tpu.memory_space<vmem>> -> memref<8x1024xf32, #tpu.memory_space<vmem>>
    %dma_wait3A_33 = arith.constant 0 : i32
    %dma_wait3A_34 = tpu.memref_slice %arg2[%add3A_4, %dma_wait3A_33] : memref<8192x1024xf32, #tpu.memory_space<hbm>> -> memref<8x1024xf32, #tpu.memory_space<hbm>>
    tpu.wait_dma2 semaphore(%arg6 : memref<!tpu.dma_semaphore, #tpu.memory_space<semaphore_mem>>) src(%dma_wait3A_34 : memref<8x1024xf32, #tpu.memory_space<hbm>>) dst(%dma_wait3A_32 : memref<8x1024xf32, #tpu.memory_space<vmem>>)
    %add3A_35 = arith.constant 0 : i32
    %add3A_36 = arith.addi %mul3A_2, %add3A_35 : i32
    %dma_start3A_37 = arith.constant 0 : i32
    %dma_start3A_38 = arith.constant 0 : i32
    %dma_start3A_39 = arith.constant 0 : i32
    %dma_start3A_40 = tpu.memref_slice %arg4[%dma_start3A_38, %dma_start3A_39] : memref<32x1024xf32, #tpu.memory_space<vmem>> -> memref<8x1024xf32, #tpu.memory_space<vmem>>
    %dma_start3A_41 = arith.constant 0 : i32
    %dma_start3A_42 = tpu.memref_slice %arg3[%dma_start3A_37, %add3A_36, %dma_start3A_41] : memref<4x8192x1024xf32, #tpu.memory_space<hbm>> -> memref<1x8x1024xf32, #tpu.memory_space<hbm>>
    %dma_start3A_43 = tpu.memref_squeeze %dma_start3A_42 : memref<1x8x1024xf32, #tpu.memory_space<hbm>> -> memref<8x1024xf32, #tpu.memory_space<hbm>>
    %dma_start3A_44 = arith.constant 0 : i32
    %dma_start3A_45 = tpu.memref_slice %arg3[%dma_start3A_37, %add3A_36, %dma_start3A_44] : memref<4x8192x1024xf32, #tpu.memory_space<hbm>> -> memref<1x8x1024xf32, #tpu.memory_space<hbm>>
    %dma_start3A_46 = tpu.memref_squeeze %dma_start3A_45 : memref<1x8x1024xf32, #tpu.memory_space<hbm>> -> memref<8x1024xf32, #tpu.memory_space<hbm>>
    %dma_start3A_47 = arith.constant 0 : i32
    %dma_start3A_48 = arith.constant 0 : i32
    %dma_start3A_49 = tpu.memref_slice %arg4[%dma_start3A_47, %dma_start3A_48] : memref<32x1024xf32, #tpu.memory_space<vmem>> -> memref<8x1024xf32, #tpu.memory_space<vmem>>
    tpu.enqueue_dma source(%dma_start3A_49 : memref<8x1024xf32, #tpu.memory_space<vmem>>) target(%dma_start3A_46 : memref<8x1024xf32, #tpu.memory_space<hbm>>) target_semaphore(%arg8 : memref<!tpu.dma_semaphore, #tpu.memory_space<semaphore_mem>>)
    %add3A_50 = arith.constant 0 : i32
    %add3A_51 = arith.addi %mul3A_2, %add3A_50 : i32
    %dma_start3A_52 = arith.constant 1 : i32
    %dma_start3A_53 = arith.constant 0 : i32
    %dma_start3A_54 = arith.constant 0 : i32
    %dma_start3A_55 = tpu.memref_slice %arg4[%dma_start3A_53, %dma_start3A_54] : memref<32x1024xf32, #tpu.memory_space<vmem>> -> memref<8x1024xf32, #tpu.memory_space<vmem>>
    %dma_start3A_56 = arith.constant 0 : i32
    %dma_start3A_57 = tpu.memref_slice %arg3[%dma_start3A_52, %add3A_51, %dma_start3A_56] : memref<4x8192x1024xf32, #tpu.memory_space<hbm>> -> memref<1x8x1024xf32, #tpu.memory_space<hbm>>
    %dma_start3A_58 = tpu.memref_squeeze %dma_start3A_57 : memref<1x8x1024xf32, #tpu.memory_space<hbm>> -> memref<8x1024xf32, #tpu.memory_space<hbm>>
    %dma_start3A_59 = arith.constant 0 : i32
    %dma_start3A_60 = tpu.memref_slice %arg3[%dma_start3A_52, %add3A_51, %dma_start3A_59] : memref<4x8192x1024xf32, #tpu.memory_space<hbm>> -> memref<1x8x1024xf32, #tpu.memory_space<hbm>>
    %dma_start3A_61 = tpu.memref_squeeze %dma_start3A_60 : memref<1x8x1024xf32, #tpu.memory_space<hbm>> -> memref<8x1024xf32, #tpu.memory_space<hbm>>
    %dma_start3A_62 = arith.constant 0 : i32
    %dma_start3A_63 = arith.constant 0 : i32
    %dma_start3A_64 = tpu.memref_slice %arg4[%dma_start3A_62, %dma_start3A_63] : memref<32x1024xf32, #tpu.memory_space<vmem>> -> memref<8x1024xf32, #tpu.memory_space<vmem>>
    tpu.enqueue_dma source(%dma_start3A_64 : memref<8x1024xf32, #tpu.memory_space<vmem>>) target(%dma_start3A_61 : memref<8x1024xf32, #tpu.memory_space<hbm>>) target_semaphore(%arg8 : memref<!tpu.dma_semaphore, #tpu.memory_space<semaphore_mem>>)
    %add3A_65 = arith.constant 0 : i32
    %add3A_66 = arith.addi %mul3A_2, %add3A_65 : i32
    %dma_start3A_67 = arith.constant 2 : i32
    %dma_start3A_68 = arith.constant 0 : i32
    %dma_start3A_69 = arith.constant 0 : i32
    %dma_start3A_70 = tpu.memref_slice %arg4[%dma_start3A_68, %dma_start3A_69] : memref<32x1024xf32, #tpu.memory_space<vmem>> -> memref<8x1024xf32, #tpu.memory_space<vmem>>
    %dma_start3A_71 = arith.constant 0 : i32
    %dma_start3A_72 = tpu.memref_slice %arg3[%dma_start3A_67, %add3A_66, %dma_start3A_71] : memref<4x8192x1024xf32, #tpu.memory_space<hbm>> -> memref<1x8x1024xf32, #tpu.memory_space<hbm>>
    %dma_start3A_73 = tpu.memref_squeeze %dma_start3A_72 : memref<1x8x1024xf32, #tpu.memory_space<hbm>> -> memref<8x1024xf32, #tpu.memory_space<hbm>>
    %dma_start3A_74 = arith.constant 0 : i32
    %dma_start3A_75 = tpu.memref_slice %arg3[%dma_start3A_67, %add3A_66, %dma_start3A_74] : memref<4x8192x1024xf32, #tpu.memory_space<hbm>> -> memref<1x8x1024xf32, #tpu.memory_space<hbm>>
    %dma_start3A_76 = tpu.memref_squeeze %dma_start3A_75 : memref<1x8x1024xf32, #tpu.memory_space<hbm>> -> memref<8x1024xf32, #tpu.memory_space<hbm>>
    %dma_start3A_77 = arith.constant 0 : i32
    %dma_start3A_78 = arith.constant 0 : i32
    %dma_start3A_79 = tpu.memref_slice %arg4[%dma_start3A_77, %dma_start3A_78] : memref<32x1024xf32, #tpu.memory_space<vmem>> -> memref<8x1024xf32, #tpu.memory_space<vmem>>
    tpu.enqueue_dma source(%dma_start3A_79 : memref<8x1024xf32, #tpu.memory_space<vmem>>) target(%dma_start3A_76 : memref<8x1024xf32, #tpu.memory_space<hbm>>) target_semaphore(%arg8 : memref<!tpu.dma_semaphore, #tpu.memory_space<semaphore_mem>>)
    %add3A_80 = arith.constant 0 : i32
    %add3A_81 = arith.addi %mul3A_2, %add3A_80 : i32
    %dma_start3A_82 = arith.constant 3 : i32
    %dma_start3A_83 = arith.constant 0 : i32
    %dma_start3A_84 = arith.constant 0 : i32
    %dma_start3A_85 = tpu.memref_slice %arg4[%dma_start3A_83, %dma_start3A_84] : memref<32x1024xf32, #tpu.memory_space<vmem>> -> memref<8x1024xf32, #tpu.memory_space<vmem>>
    %dma_start3A_86 = arith.constant 0 : i32
    %dma_start3A_87 = tpu.memref_slice %arg3[%dma_start3A_82, %add3A_81, %dma_start3A_86] : memref<4x8192x1024xf32, #tpu.memory_space<hbm>> -> memref<1x8x1024xf32, #tpu.memory_space<hbm>>
    %dma_start3A_88 = tpu.memref_squeeze %dma_start3A_87 : memref<1x8x1024xf32, #tpu.memory_space<hbm>> -> memref<8x1024xf32, #tpu.memory_space<hbm>>
    %dma_start3A_89 = arith.constant 0 : i32
    %dma_start3A_90 = tpu.memref_slice %arg3[%dma_start3A_82, %add3A_81, %dma_start3A_89] : memref<4x8192x1024xf32, #tpu.memory_space<hbm>> -> memref<1x8x1024xf32, #tpu.memory_space<hbm>>
    %dma_start3A_91 = tpu.memref_squeeze %dma_start3A_90 : memref<1x8x1024xf32, #tpu.memory_space<hbm>> -> memref<8x1024xf32, #tpu.memory_space<hbm>>
    %dma_start3A_92 = arith.constant 0 : i32
    %dma_start3A_93 = arith.constant 0 : i32
    %dma_start3A_94 = tpu.memref_slice %arg4[%dma_start3A_92, %dma_start3A_93] : memref<32x1024xf32, #tpu.memory_space<vmem>> -> memref<8x1024xf32, #tpu.memory_space<vmem>>
    tpu.enqueue_dma source(%dma_start3A_94 : memref<8x1024xf32, #tpu.memory_space<vmem>>) target(%dma_start3A_91 : memref<8x1024xf32, #tpu.memory_space<hbm>>) target_semaphore(%arg8 : memref<!tpu.dma_semaphore, #tpu.memory_space<semaphore_mem>>)
    %dma_wait3A_95 = arith.constant 0 : i32
    %dma_wait3A_96 = arith.constant 0 : i32
    %dma_wait3A_97 = arith.constant 0 : i32
    %dma_wait3A_98 = tpu.memref_slice %arg4[%dma_wait3A_96, %dma_wait3A_97] : memref<32x1024xf32, #tpu.memory_space<vmem>> -> memref<8x1024xf32, #tpu.memory_space<vmem>>
    %dma_wait3A_99 = arith.constant 0 : i32
    %dma_wait3A_100 = tpu.memref_slice %arg3[%dma_wait3A_95, %add3A_36, %dma_wait3A_99] : memref<4x8192x1024xf32, #tpu.memory_space<hbm>> -> memref<1x8x1024xf32, #tpu.memory_space<hbm>>
    %dma_wait3A_101 = tpu.memref_squeeze %dma_wait3A_100 : memref<1x8x1024xf32, #tpu.memory_space<hbm>> -> memref<8x1024xf32, #tpu.memory_space<hbm>>
    %dma_wait3A_102 = arith.constant 0 : i32
    %dma_wait3A_103 = tpu.memref_slice %arg3[%dma_wait3A_95, %add3A_36, %dma_wait3A_102] : memref<4x8192x1024xf32, #tpu.memory_space<hbm>> -> memref<1x8x1024xf32, #tpu.memory_space<hbm>>
    %dma_wait3A_104 = tpu.memref_squeeze %dma_wait3A_103 : memref<1x8x1024xf32, #tpu.memory_space<hbm>> -> memref<8x1024xf32, #tpu.memory_space<hbm>>
    %dma_wait3A_105 = arith.constant 0 : i32
    %dma_wait3A_106 = arith.constant 0 : i32
    %dma_wait3A_107 = tpu.memref_slice %arg4[%dma_wait3A_105, %dma_wait3A_106] : memref<32x1024xf32, #tpu.memory_space<vmem>> -> memref<8x1024xf32, #tpu.memory_space<vmem>>
    tpu.wait_dma2 semaphore(%arg8 : memref<!tpu.dma_semaphore, #tpu.memory_space<semaphore_mem>>) src(%dma_wait3A_107 : memref<8x1024xf32, #tpu.memory_space<vmem>>) dst(%dma_wait3A_104 : memref<8x1024xf32, #tpu.memory_space<hbm>>)
    %dma_wait3A_108 = arith.constant 1 : i32
    %dma_wait3A_109 = arith.constant 0 : i32
    %dma_wait3A_110 = arith.constant 0 : i32
    %dma_wait3A_111 = tpu.memref_slice %arg4[%dma_wait3A_109, %dma_wait3A_110] : memref<32x1024xf32, #tpu.memory_space<vmem>> -> memref<8x1024xf32, #tpu.memory_space<vmem>>
    %dma_wait3A_112 = arith.constant 0 : i32
    %dma_wait3A_113 = tpu.memref_slice %arg3[%dma_wait3A_108, %add3A_51, %dma_wait3A_112] : memref<4x8192x1024xf32, #tpu.memory_space<hbm>> -> memref<1x8x1024xf32, #tpu.memory_space<hbm>>
    %dma_wait3A_114 = tpu.memref_squeeze %dma_wait3A_113 : memref<1x8x1024xf32, #tpu.memory_space<hbm>> -> memref<8x1024xf32, #tpu.memory_space<hbm>>
    %dma_wait3A_115 = arith.constant 0 : i32
    %dma_wait3A_116 = tpu.memref_slice %arg3[%dma_wait3A_108, %add3A_51, %dma_wait3A_115] : memref<4x8192x1024xf32, #tpu.memory_space<hbm>> -> memref<1x8x1024xf32, #tpu.memory_space<hbm>>
    %dma_wait3A_117 = tpu.memref_squeeze %dma_wait3A_116 : memref<1x8x1024xf32, #tpu.memory_space<hbm>> -> memref<8x1024xf32, #tpu.memory_space<hbm>>
    %dma_wait3A_118 = arith.constant 0 : i32
    %dma_wait3A_119 = arith.constant 0 : i32
    %dma_wait3A_120 = tpu.memref_slice %arg4[%dma_wait3A_118, %dma_wait3A_119] : memref<32x1024xf32, #tpu.memory_space<vmem>> -> memref<8x1024xf32, #tpu.memory_space<vmem>>
    tpu.wait_dma2 semaphore(%arg8 : memref<!tpu.dma_semaphore, #tpu.memory_space<semaphore_mem>>) src(%dma_wait3A_120 : memref<8x1024xf32, #tpu.memory_space<vmem>>) dst(%dma_wait3A_117 : memref<8x1024xf32, #tpu.memory_space<hbm>>)
    %dma_wait3A_121 = arith.constant 2 : i32
    %dma_wait3A_122 = arith.constant 0 : i32
    %dma_wait3A_123 = arith.constant 0 : i32
    %dma_wait3A_124 = tpu.memref_slice %arg4[%dma_wait3A_122, %dma_wait3A_123] : memref<32x1024xf32, #tpu.memory_space<vmem>> -> memref<8x1024xf32, #tpu.memory_space<vmem>>
    %dma_wait3A_125 = arith.constant 0 : i32
    %dma_wait3A_126 = tpu.memref_slice %arg3[%dma_wait3A_121, %add3A_66, %dma_wait3A_125] : memref<4x8192x1024xf32, #tpu.memory_space<hbm>> -> memref<1x8x1024xf32, #tpu.memory_space<hbm>>
    %dma_wait3A_127 = tpu.memref_squeeze %dma_wait3A_126 : memref<1x8x1024xf32, #tpu.memory_space<hbm>> -> memref<8x1024xf32, #tpu.memory_space<hbm>>
    %dma_wait3A_128 = arith.constant 0 : i32
    %dma_wait3A_129 = tpu.memref_slice %arg3[%dma_wait3A_121, %add3A_66, %dma_wait3A_128] : memref<4x8192x1024xf32, #tpu.memory_space<hbm>> -> memref<1x8x1024xf32, #tpu.memory_space<hbm>>
    %dma_wait3A_130 = tpu.memref_squeeze %dma_wait3A_129 : memref<1x8x1024xf32, #tpu.memory_space<hbm>> -> memref<8x1024xf32, #tpu.memory_space<hbm>>
    %dma_wait3A_131 = arith.constant 0 : i32
    %dma_wait3A_132 = arith.constant 0 : i32
    %dma_wait3A_133 = tpu.memref_slice %arg4[%dma_wait3A_131, %dma_wait3A_132] : memref<32x1024xf32, #tpu.memory_space<vmem>> -> memref<8x1024xf32, #tpu.memory_space<vmem>>
    tpu.wait_dma2 semaphore(%arg8 : memref<!tpu.dma_semaphore, #tpu.memory_space<semaphore_mem>>) src(%dma_wait3A_133 : memref<8x1024xf32, #tpu.memory_space<vmem>>) dst(%dma_wait3A_130 : memref<8x1024xf32, #tpu.memory_space<hbm>>)
    %dma_wait3A_134 = arith.constant 3 : i32
    %dma_wait3A_135 = arith.constant 0 : i32
    %dma_wait3A_136 = arith.constant 0 : i32
    %dma_wait3A_137 = tpu.memref_slice %arg4[%dma_wait3A_135, %dma_wait3A_136] : memref<32x1024xf32, #tpu.memory_space<vmem>> -> memref<8x1024xf32, #tpu.memory_space<vmem>>
    %dma_wait3A_138 = arith.constant 0 : i32
    %dma_wait3A_139 = tpu.memref_slice %arg3[%dma_wait3A_134, %add3A_81, %dma_wait3A_138] : memref<4x8192x1024xf32, #tpu.memory_space<hbm>> -> memref<1x8x1024xf32, #tpu.memory_space<hbm>>
    %dma_wait3A_140 = tpu.memref_squeeze %dma_wait3A_139 : memref<1x8x1024xf32, #tpu.memory_space<hbm>> -> memref<8x1024xf32, #tpu.memory_space<hbm>>
    %dma_wait3A_141 = arith.constant 0 : i32
    %dma_wait3A_142 = tpu.memref_slice %arg3[%dma_wait3A_134, %add3A_81, %dma_wait3A_141] : memref<4x8192x1024xf32, #tpu.memory_space<hbm>> -> memref<1x8x1024xf32, #tpu.memory_space<hbm>>
    %dma_wait3A_143 = tpu.memref_squeeze %dma_wait3A_142 : memref<1x8x1024xf32, #tpu.memory_space<hbm>> -> memref<8x1024xf32, #tpu.memory_space<hbm>>
    %dma_wait3A_144 = arith.constant 0 : i32
    %dma_wait3A_145 = arith.constant 0 : i32
    %dma_wait3A_146 = tpu.memref_slice %arg4[%dma_wait3A_144, %dma_wait3A_145] : memref<32x1024xf32, #tpu.memory_space<vmem>> -> memref<8x1024xf32, #tpu.memory_space<vmem>>
    tpu.wait_dma2 semaphore(%arg8 : memref<!tpu.dma_semaphore, #tpu.memory_space<semaphore_mem>>) src(%dma_wait3A_146 : memref<8x1024xf32, #tpu.memory_space<vmem>>) dst(%dma_wait3A_143 : memref<8x1024xf32, #tpu.memory_space<hbm>>)
    %add3A_147 = arith.constant 72 : i32
    %add3A_148 = arith.addi %mul3A_2, %add3A_147 : i32
    %dma_start3A_149 = arith.constant 0 : i32
    %dma_start3A_150 = arith.constant 0 : i32
    %dma_start3A_151 = tpu.memref_slice %arg4[%dma_start3A_149, %dma_start3A_150] : memref<32x1024xf32, #tpu.memory_space<vmem>> -> memref<32x1024xf32, #tpu.memory_space<vmem>>
    %dma_start3A_152 = arith.constant 0 : i32
    %dma_start3A_153 = tpu.memref_slice %arg2[%add3A_148, %dma_start3A_152] : memref<8192x1024xf32, #tpu.memory_space<hbm>> -> memref<32x1024xf32, #tpu.memory_space<hbm>>
    %dma_start3A_154 = arith.constant 0 : i32
    %dma_start3A_155 = arith.constant 0 : i32
    %dma_start3A_156 = tpu.memref_slice %arg4[%dma_start3A_154, %dma_start3A_155] : memref<32x1024xf32, #tpu.memory_space<vmem>> -> memref<32x1024xf32, #tpu.memory_space<vmem>>
    %dma_start3A_157 = arith.constant 0 : i32
    %dma_start3A_158 = tpu.memref_slice %arg2[%add3A_148, %dma_start3A_157] : memref<8192x1024xf32, #tpu.memory_space<hbm>> -> memref<32x1024xf32, #tpu.memory_space<hbm>>
    tpu.enqueue_dma source(%dma_start3A_158 : memref<32x1024xf32, #tpu.memory_space<hbm>>) target(%dma_start3A_156 : memref<32x1024xf32, #tpu.memory_space<vmem>>) target_semaphore(%arg6 : memref<!tpu.dma_semaphore, #tpu.memory_space<semaphore_mem>>)
    %dma_wait3A_159 = arith.constant 0 : i32
    %dma_wait3A_160 = arith.constant 0 : i32
    %dma_wait3A_161 = tpu.memref_slice %arg5[%dma_wait3A_159, %dma_wait3A_160] : memref<64x1024xf32, #tpu.memory_space<vmem>> -> memref<64x1024xf32, #tpu.memory_space<vmem>>
    %dma_wait3A_162 = arith.constant 0 : i32
    %dma_wait3A_163 = tpu.memref_slice %arg2[%add3A_15, %dma_wait3A_162] : memref<8192x1024xf32, #tpu.memory_space<hbm>> -> memref<64x1024xf32, #tpu.memory_space<hbm>>
    %dma_wait3A_164 = arith.constant 0 : i32
    %dma_wait3A_165 = arith.constant 0 : i32
    %dma_wait3A_166 = tpu.memref_slice %arg5[%dma_wait3A_164, %dma_wait3A_165] : memref<64x1024xf32, #tpu.memory_space<vmem>> -> memref<64x1024xf32, #tpu.memory_space<vmem>>
    %dma_wait3A_167 = arith.constant 0 : i32
    %dma_wait3A_168 = tpu.memref_slice %arg2[%add3A_15, %dma_wait3A_167] : memref<8192x1024xf32, #tpu.memory_space<hbm>> -> memref<64x1024xf32, #tpu.memory_space<hbm>>
    tpu.wait_dma2 semaphore(%arg7 : memref<!tpu.dma_semaphore, #tpu.memory_space<semaphore_mem>>) src(%dma_wait3A_168 : memref<64x1024xf32, #tpu.memory_space<hbm>>) dst(%dma_wait3A_166 : memref<64x1024xf32, #tpu.memory_space<vmem>>)
    %add3A_169 = arith.constant 8 : i32
    %add3A_170 = arith.addi %mul3A_2, %add3A_169 : i32
    %dma_start3A_171 = arith.constant 0 : i32
    %dma_start3A_172 = arith.constant 0 : i32
    %dma_start3A_173 = arith.constant 0 : i32
    %dma_start3A_174 = tpu.memref_slice %arg5[%dma_start3A_172, %dma_start3A_173] : memref<64x1024xf32, #tpu.memory_space<vmem>> -> memref<64x1024xf32, #tpu.memory_space<vmem>>
    %dma_start3A_175 = arith.constant 0 : i32
    %dma_start3A_176 = tpu.memref_slice %arg3[%dma_start3A_171, %add3A_170, %dma_start3A_175] : memref<4x8192x1024xf32, #tpu.memory_space<hbm>> -> memref<1x64x1024xf32, #tpu.memory_space<hbm>>
    %dma_start3A_177 = tpu.memref_squeeze %dma_start3A_176 : memref<1x64x1024xf32, #tpu.memory_space<hbm>> -> memref<64x1024xf32, #tpu.memory_space<hbm>>
    %dma_start3A_178 = arith.constant 0 : i32
    %dma_start3A_179 = tpu.memref_slice %arg3[%dma_start3A_171, %add3A_170, %dma_start3A_178] : memref<4x8192x1024xf32, #tpu.memory_space<hbm>> -> memref<1x64x1024xf32, #tpu.memory_space<hbm>>
    %dma_start3A_180 = tpu.memref_squeeze %dma_start3A_179 : memref<1x64x1024xf32, #tpu.memory_space<hbm>> -> memref<64x1024xf32, #tpu.memory_space<hbm>>
    %dma_start3A_181 = arith.constant 0 : i32
    %dma_start3A_182 = arith.constant 0 : i32
    %dma_start3A_183 = tpu.memref_slice %arg5[%dma_start3A_181, %dma_start3A_182] : memref<64x1024xf32, #tpu.memory_space<vmem>> -> memref<64x1024xf32, #tpu.memory_space<vmem>>
    tpu.enqueue_dma source(%dma_start3A_183 : memref<64x1024xf32, #tpu.memory_space<vmem>>) target(%dma_start3A_180 : memref<64x1024xf32, #tpu.memory_space<hbm>>) target_semaphore(%arg9 : memref<!tpu.dma_semaphore, #tpu.memory_space<semaphore_mem>>)
    %add3A_184 = arith.constant 8 : i32
    %add3A_185 = arith.addi %mul3A_2, %add3A_184 : i32
    %dma_start3A_186 = arith.constant 1 : i32
    %dma_start3A_187 = arith.constant 0 : i32
    %dma_start3A_188 = arith.constant 0 : i32
    %dma_start3A_189 = tpu.memref_slice %arg5[%dma_start3A_187, %dma_start3A_188] : memref<64x1024xf32, #tpu.memory_space<vmem>> -> memref<64x1024xf32, #tpu.memory_space<vmem>>
    %dma_start3A_190 = arith.constant 0 : i32
    %dma_start3A_191 = tpu.memref_slice %arg3[%dma_start3A_186, %add3A_185, %dma_start3A_190] : memref<4x8192x1024xf32, #tpu.memory_space<hbm>> -> memref<1x64x1024xf32, #tpu.memory_space<hbm>>
    %dma_start3A_192 = tpu.memref_squeeze %dma_start3A_191 : memref<1x64x1024xf32, #tpu.memory_space<hbm>> -> memref<64x1024xf32, #tpu.memory_space<hbm>>
    %dma_start3A_193 = arith.constant 0 : i32
    %dma_start3A_194 = tpu.memref_slice %arg3[%dma_start3A_186, %add3A_185, %dma_start3A_193] : memref<4x8192x1024xf32, #tpu.memory_space<hbm>> -> memref<1x64x1024xf32, #tpu.memory_space<hbm>>
    %dma_start3A_195 = tpu.memref_squeeze %dma_start3A_194 : memref<1x64x1024xf32, #tpu.memory_space<hbm>> -> memref<64x1024xf32, #tpu.memory_space<hbm>>
    %dma_start3A_196 = arith.constant 0 : i32
    %dma_start3A_197 = arith.constant 0 : i32
    %dma_start3A_198 = tpu.memref_slice %arg5[%dma_start3A_196, %dma_start3A_197] : memref<64x1024xf32, #tpu.memory_space<vmem>> -> memref<64x1024xf32, #tpu.memory_space<vmem>>
    tpu.enqueue_dma source(%dma_start3A_198 : memref<64x1024xf32, #tpu.memory_space<vmem>>) target(%dma_start3A_195 : memref<64x1024xf32, #tpu.memory_space<hbm>>) target_semaphore(%arg9 : memref<!tpu.dma_semaphore, #tpu.memory_space<semaphore_mem>>)
    %add3A_199 = arith.constant 8 : i32
    %add3A_200 = arith.addi %mul3A_2, %add3A_199 : i32
    %dma_start3A_201 = arith.constant 2 : i32
    %dma_start3A_202 = arith.constant 0 : i32
    %dma_start3A_203 = arith.constant 0 : i32
    %dma_start3A_204 = tpu.memref_slice %arg5[%dma_start3A_202, %dma_start3A_203] : memref<64x1024xf32, #tpu.memory_space<vmem>> -> memref<64x1024xf32, #tpu.memory_space<vmem>>
    %dma_start3A_205 = arith.constant 0 : i32
    %dma_start3A_206 = tpu.memref_slice %arg3[%dma_start3A_201, %add3A_200, %dma_start3A_205] : memref<4x8192x1024xf32, #tpu.memory_space<hbm>> -> memref<1x64x1024xf32, #tpu.memory_space<hbm>>
    %dma_start3A_207 = tpu.memref_squeeze %dma_start3A_206 : memref<1x64x1024xf32, #tpu.memory_space<hbm>> -> memref<64x1024xf32, #tpu.memory_space<hbm>>
    %dma_start3A_208 = arith.constant 0 : i32
    %dma_start3A_209 = tpu.memref_slice %arg3[%dma_start3A_201, %add3A_200, %dma_start3A_208] : memref<4x8192x1024xf32, #tpu.memory_space<hbm>> -> memref<1x64x1024xf32, #tpu.memory_space<hbm>>
    %dma_start3A_210 = tpu.memref_squeeze %dma_start3A_209 : memref<1x64x1024xf32, #tpu.memory_space<hbm>> -> memref<64x1024xf32, #tpu.memory_space<hbm>>
    %dma_start3A_211 = arith.constant 0 : i32
    %dma_start3A_212 = arith.constant 0 : i32
    %dma_start3A_213 = tpu.memref_slice %arg5[%dma_start3A_211, %dma_start3A_212] : memref<64x1024xf32, #tpu.memory_space<vmem>> -> memref<64x1024xf32, #tpu.memory_space<vmem>>
    tpu.enqueue_dma source(%dma_start3A_213 : memref<64x1024xf32, #tpu.memory_space<vmem>>) target(%dma_start3A_210 : memref<64x1024xf32, #tpu.memory_space<hbm>>) target_semaphore(%arg9 : memref<!tpu.dma_semaphore, #tpu.memory_space<semaphore_mem>>)
    %add3A_214 = arith.constant 8 : i32
    %add3A_215 = arith.addi %mul3A_2, %add3A_214 : i32
    %dma_start3A_216 = arith.constant 3 : i32
    %dma_start3A_217 = arith.constant 0 : i32
    %dma_start3A_218 = arith.constant 0 : i32
    %dma_start3A_219 = tpu.memref_slice %arg5[%dma_start3A_217, %dma_start3A_218] : memref<64x1024xf32, #tpu.memory_space<vmem>> -> memref<64x1024xf32, #tpu.memory_space<vmem>>
    %dma_start3A_220 = arith.constant 0 : i32
    %dma_start3A_221 = tpu.memref_slice %arg3[%dma_start3A_216, %add3A_215, %dma_start3A_220] : memref<4x8192x1024xf32, #tpu.memory_space<hbm>> -> memref<1x64x1024xf32, #tpu.memory_space<hbm>>
    %dma_start3A_222 = tpu.memref_squeeze %dma_start3A_221 : memref<1x64x1024xf32, #tpu.memory_space<hbm>> -> memref<64x1024xf32, #tpu.memory_space<hbm>>
    %dma_start3A_223 = arith.constant 0 : i32
    %dma_start3A_224 = tpu.memref_slice %arg3[%dma_start3A_216, %add3A_215, %dma_start3A_223] : memref<4x8192x1024xf32, #tpu.memory_space<hbm>> -> memref<1x64x1024xf32, #tpu.memory_space<hbm>>
    %dma_start3A_225 = tpu.memref_squeeze %dma_start3A_224 : memref<1x64x1024xf32, #tpu.memory_space<hbm>> -> memref<64x1024xf32, #tpu.memory_space<hbm>>
    %dma_start3A_226 = arith.constant 0 : i32
    %dma_start3A_227 = arith.constant 0 : i32
    %dma_start3A_228 = tpu.memref_slice %arg5[%dma_start3A_226, %dma_start3A_227] : memref<64x1024xf32, #tpu.memory_space<vmem>> -> memref<64x1024xf32, #tpu.memory_space<vmem>>
    tpu.enqueue_dma source(%dma_start3A_228 : memref<64x1024xf32, #tpu.memory_space<vmem>>) target(%dma_start3A_225 : memref<64x1024xf32, #tpu.memory_space<hbm>>) target_semaphore(%arg9 : memref<!tpu.dma_semaphore, #tpu.memory_space<semaphore_mem>>)
    %dma_wait3A_229 = arith.constant 0 : i32
    %dma_wait3A_230 = arith.constant 0 : i32
    %dma_wait3A_231 = arith.constant 0 : i32
    %dma_wait3A_232 = tpu.memref_slice %arg5[%dma_wait3A_230, %dma_wait3A_231] : memref<64x1024xf32, #tpu.memory_space<vmem>> -> memref<64x1024xf32, #tpu.memory_space<vmem>>
    %dma_wait3A_233 = arith.constant 0 : i32
    %dma_wait3A_234 = tpu.memref_slice %arg3[%dma_wait3A_229, %add3A_170, %dma_wait3A_233] : memref<4x8192x1024xf32, #tpu.memory_space<hbm>> -> memref<1x64x1024xf32, #tpu.memory_space<hbm>>
    %dma_wait3A_235 = tpu.memref_squeeze %dma_wait3A_234 : memref<1x64x1024xf32, #tpu.memory_space<hbm>> -> memref<64x1024xf32, #tpu.memory_space<hbm>>
    %dma_wait3A_236 = arith.constant 0 : i32
    %dma_wait3A_237 = tpu.memref_slice %arg3[%dma_wait3A_229, %add3A_170, %dma_wait3A_236] : memref<4x8192x1024xf32, #tpu.memory_space<hbm>> -> memref<1x64x1024xf32, #tpu.memory_space<hbm>>
    %dma_wait3A_238 = tpu.memref_squeeze %dma_wait3A_237 : memref<1x64x1024xf32, #tpu.memory_space<hbm>> -> memref<64x1024xf32, #tpu.memory_space<hbm>>
    %dma_wait3A_239 = arith.constant 0 : i32
    %dma_wait3A_240 = arith.constant 0 : i32
    %dma_wait3A_241 = tpu.memref_slice %arg5[%dma_wait3A_239, %dma_wait3A_240] : memref<64x1024xf32, #tpu.memory_space<vmem>> -> memref<64x1024xf32, #tpu.memory_space<vmem>>
    tpu.wait_dma2 semaphore(%arg9 : memref<!tpu.dma_semaphore, #tpu.memory_space<semaphore_mem>>) src(%dma_wait3A_241 : memref<64x1024xf32, #tpu.memory_space<vmem>>) dst(%dma_wait3A_238 : memref<64x1024xf32, #tpu.memory_space<hbm>>)
    %dma_wait3A_242 = arith.constant 1 : i32
    %dma_wait3A_243 = arith.constant 0 : i32
    %dma_wait3A_244 = arith.constant 0 : i32
    %dma_wait3A_245 = tpu.memref_slice %arg5[%dma_wait3A_243, %dma_wait3A_244] : memref<64x1024xf32, #tpu.memory_space<vmem>> -> memref<64x1024xf32, #tpu.memory_space<vmem>>
    %dma_wait3A_246 = arith.constant 0 : i32
    %dma_wait3A_247 = tpu.memref_slice %arg3[%dma_wait3A_242, %add3A_185, %dma_wait3A_246] : memref<4x8192x1024xf32, #tpu.memory_space<hbm>> -> memref<1x64x1024xf32, #tpu.memory_space<hbm>>
    %dma_wait3A_248 = tpu.memref_squeeze %dma_wait3A_247 : memref<1x64x1024xf32, #tpu.memory_space<hbm>> -> memref<64x1024xf32, #tpu.memory_space<hbm>>
    %dma_wait3A_249 = arith.constant 0 : i32
    %dma_wait3A_250 = tpu.memref_slice %arg3[%dma_wait3A_242, %add3A_185, %dma_wait3A_249] : memref<4x8192x1024xf32, #tpu.memory_space<hbm>> -> memref<1x64x1024xf32, #tpu.memory_space<hbm>>
    %dma_wait3A_251 = tpu.memref_squeeze %dma_wait3A_250 : memref<1x64x1024xf32, #tpu.memory_space<hbm>> -> memref<64x1024xf32, #tpu.memory_space<hbm>>
    %dma_wait3A_252 = arith.constant 0 : i32
    %dma_wait3A_253 = arith.constant 0 : i32
    %dma_wait3A_254 = tpu.memref_slice %arg5[%dma_wait3A_252, %dma_wait3A_253] : memref<64x1024xf32, #tpu.memory_space<vmem>> -> memref<64x1024xf32, #tpu.memory_space<vmem>>
    tpu.wait_dma2 semaphore(%arg9 : memref<!tpu.dma_semaphore, #tpu.memory_space<semaphore_mem>>) src(%dma_wait3A_254 : memref<64x1024xf32, #tpu.memory_space<vmem>>) dst(%dma_wait3A_251 : memref<64x1024xf32, #tpu.memory_space<hbm>>)
    %dma_wait3A_255 = arith.constant 2 : i32
    %dma_wait3A_256 = arith.constant 0 : i32
    %dma_wait3A_257 = arith.constant 0 : i32
    %dma_wait3A_258 = tpu.memref_slice %arg5[%dma_wait3A_256, %dma_wait3A_257] : memref<64x1024xf32, #tpu.memory_space<vmem>> -> memref<64x1024xf32, #tpu.memory_space<vmem>>
    %dma_wait3A_259 = arith.constant 0 : i32
    %dma_wait3A_260 = tpu.memref_slice %arg3[%dma_wait3A_255, %add3A_200, %dma_wait3A_259] : memref<4x8192x1024xf32, #tpu.memory_space<hbm>> -> memref<1x64x1024xf32, #tpu.memory_space<hbm>>
    %dma_wait3A_261 = tpu.memref_squeeze %dma_wait3A_260 : memref<1x64x1024xf32, #tpu.memory_space<hbm>> -> memref<64x1024xf32, #tpu.memory_space<hbm>>
    %dma_wait3A_262 = arith.constant 0 : i32
    %dma_wait3A_263 = tpu.memref_slice %arg3[%dma_wait3A_255, %add3A_200, %dma_wait3A_262] : memref<4x8192x1024xf32, #tpu.memory_space<hbm>> -> memref<1x64x1024xf32, #tpu.memory_space<hbm>>
    %dma_wait3A_264 = tpu.memref_squeeze %dma_wait3A_263 : memref<1x64x1024xf32, #tpu.memory_space<hbm>> -> memref<64x1024xf32, #tpu.memory_space<hbm>>
    %dma_wait3A_265 = arith.constant 0 : i32
    %dma_wait3A_266 = arith.constant 0 : i32
    %dma_wait3A_267 = tpu.memref_slice %arg5[%dma_wait3A_265, %dma_wait3A_266] : memref<64x1024xf32, #tpu.memory_space<vmem>> -> memref<64x1024xf32, #tpu.memory_space<vmem>>
    tpu.wait_dma2 semaphore(%arg9 : memref<!tpu.dma_semaphore, #tpu.memory_space<semaphore_mem>>) src(%dma_wait3A_267 : memref<64x1024xf32, #tpu.memory_space<vmem>>) dst(%dma_wait3A_264 : memref<64x1024xf32, #tpu.memory_space<hbm>>)
    %dma_wait3A_268 = arith.constant 3 : i32
    %dma_wait3A_269 = arith.constant 0 : i32
    %dma_wait3A_270 = arith.constant 0 : i32
    %dma_wait3A_271 = tpu.memref_slice %arg5[%dma_wait3A_269, %dma_wait3A_270] : memref<64x1024xf32, #tpu.memory_space<vmem>> -> memref<64x1024xf32, #tpu.memory_space<vmem>>
    %dma_wait3A_272 = arith.constant 0 : i32
    %dma_wait3A_273 = tpu.memref_slice %arg3[%dma_wait3A_268, %add3A_215, %dma_wait3A_272] : memref<4x8192x1024xf32, #tpu.memory_space<hbm>> -> memref<1x64x1024xf32, #tpu.memory_space<hbm>>
    %dma_wait3A_274 = tpu.memref_squeeze %dma_wait3A_273 : memref<1x64x1024xf32, #tpu.memory_space<hbm>> -> memref<64x1024xf32, #tpu.memory_space<hbm>>
    %dma_wait3A_275 = arith.constant 0 : i32
    %dma_wait3A_276 = tpu.memref_slice %arg3[%dma_wait3A_268, %add3A_215, %dma_wait3A_275] : memref<4x8192x1024xf32, #tpu.memory_space<hbm>> -> memref<1x64x1024xf32, #tpu.memory_space<hbm>>
    %dma_wait3A_277 = tpu.memref_squeeze %dma_wait3A_276 : memref<1x64x1024xf32, #tpu.memory_space<hbm>> -> memref<64x1024xf32, #tpu.memory_space<hbm>>
    %dma_wait3A_278 = arith.constant 0 : i32
    %dma_wait3A_279 = arith.constant 0 : i32
    %dma_wait3A_280 = tpu.memref_slice %arg5[%dma_wait3A_278, %dma_wait3A_279] : memref<64x1024xf32, #tpu.memory_space<vmem>> -> memref<64x1024xf32, #tpu.memory_space<vmem>>
    tpu.wait_dma2 semaphore(%arg9 : memref<!tpu.dma_semaphore, #tpu.memory_space<semaphore_mem>>) src(%dma_wait3A_280 : memref<64x1024xf32, #tpu.memory_space<vmem>>) dst(%dma_wait3A_277 : memref<64x1024xf32, #tpu.memory_space<hbm>>)
    %add3A_281 = arith.constant 104 : i32
    %add3A_282 = arith.addi %mul3A_2, %add3A_281 : i32
    %dma_start3A_283 = arith.constant 0 : i32
    %dma_start3A_284 = arith.constant 0 : i32
    %dma_start3A_285 = tpu.memref_slice %arg5[%dma_start3A_283, %dma_start3A_284] : memref<64x1024xf32, #tpu.memory_space<vmem>> -> memref<64x1024xf32, #tpu.memory_space<vmem>>
    %dma_start3A_286 = arith.constant 0 : i32
    %dma_start3A_287 = tpu.memref_slice %arg2[%add3A_282, %dma_start3A_286] : memref<8192x1024xf32, #tpu.memory_space<hbm>> -> memref<64x1024xf32, #tpu.memory_space<hbm>>
    %dma_start3A_288 = arith.constant 0 : i32
    %dma_start3A_289 = arith.constant 0 : i32
    %dma_start3A_290 = tpu.memref_slice %arg5[%dma_start3A_288, %dma_start3A_289] : memref<64x1024xf32, #tpu.memory_space<vmem>> -> memref<64x1024xf32, #tpu.memory_space<vmem>>
    %dma_start3A_291 = arith.constant 0 : i32
    %dma_start3A_292 = tpu.memref_slice %arg2[%add3A_282, %dma_start3A_291] : memref<8192x1024xf32, #tpu.memory_space<hbm>> -> memref<64x1024xf32, #tpu.memory_space<hbm>>
    tpu.enqueue_dma source(%dma_start3A_292 : memref<64x1024xf32, #tpu.memory_space<hbm>>) target(%dma_start3A_290 : memref<64x1024xf32, #tpu.memory_space<vmem>>) target_semaphore(%arg7 : memref<!tpu.dma_semaphore, #tpu.memory_space<semaphore_mem>>)
    %dma_wait3A_293 = arith.constant 0 : i32
    %dma_wait3A_294 = arith.constant 0 : i32
    %dma_wait3A_295 = tpu.memref_slice %arg4[%dma_wait3A_293, %dma_wait3A_294] : memref<32x1024xf32, #tpu.memory_space<vmem>> -> memref<32x1024xf32, #tpu.memory_space<vmem>>
    %dma_wait3A_296 = arith.constant 0 : i32
    %dma_wait3A_297 = tpu.memref_slice %arg2[%add3A_148, %dma_wait3A_296] : memref<8192x1024xf32, #tpu.memory_space<hbm>> -> memref<32x1024xf32, #tpu.memory_space<hbm>>
    %dma_wait3A_298 = arith.constant 0 : i32
    %dma_wait3A_299 = arith.constant 0 : i32
    %dma_wait3A_300 = tpu.memref_slice %arg4[%dma_wait3A_298, %dma_wait3A_299] : memref<32x1024xf32, #tpu.memory_space<vmem>> -> memref<32x1024xf32, #tpu.memory_space<vmem>>
    %dma_wait3A_301 = arith.constant 0 : i32
    %dma_wait3A_302 = tpu.memref_slice %arg2[%add3A_148, %dma_wait3A_301] : memref<8192x1024xf32, #tpu.memory_space<hbm>> -> memref<32x1024xf32, #tpu.memory_space<hbm>>
    tpu.wait_dma2 semaphore(%arg6 : memref<!tpu.dma_semaphore, #tpu.memory_space<semaphore_mem>>) src(%dma_wait3A_302 : memref<32x1024xf32, #tpu.memory_space<hbm>>) dst(%dma_wait3A_300 : memref<32x1024xf32, #tpu.memory_space<vmem>>)
    %add3A_303 = arith.constant 72 : i32
    %add3A_304 = arith.addi %mul3A_2, %add3A_303 : i32
    %dma_start3A_305 = arith.constant 0 : i32
    %dma_start3A_306 = arith.constant 0 : i32
    %dma_start3A_307 = arith.constant 0 : i32
    %dma_start3A_308 = tpu.memref_slice %arg4[%dma_start3A_306, %dma_start3A_307] : memref<32x1024xf32, #tpu.memory_space<vmem>> -> memref<32x1024xf32, #tpu.memory_space<vmem>>
    %dma_start3A_309 = arith.constant 0 : i32
    %dma_start3A_310 = tpu.memref_slice %arg3[%dma_start3A_305, %add3A_304, %dma_start3A_309] : memref<4x8192x1024xf32, #tpu.memory_space<hbm>> -> memref<1x32x1024xf32, #tpu.memory_space<hbm>>
    %dma_start3A_311 = tpu.memref_squeeze %dma_start3A_310 : memref<1x32x1024xf32, #tpu.memory_space<hbm>> -> memref<32x1024xf32, #tpu.memory_space<hbm>>
    %dma_start3A_312 = arith.constant 0 : i32
    %dma_start3A_313 = tpu.memref_slice %arg3[%dma_start3A_305, %add3A_304, %dma_start3A_312] : memref<4x8192x1024xf32, #tpu.memory_space<hbm>> -> memref<1x32x1024xf32, #tpu.memory_space<hbm>>
    %dma_start3A_314 = tpu.memref_squeeze %dma_start3A_313 : memref<1x32x1024xf32, #tpu.memory_space<hbm>> -> memref<32x1024xf32, #tpu.memory_space<hbm>>
    %dma_start3A_315 = arith.constant 0 : i32
    %dma_start3A_316 = arith.constant 0 : i32
    %dma_start3A_317 = tpu.memref_slice %arg4[%dma_start3A_315, %dma_start3A_316] : memref<32x1024xf32, #tpu.memory_space<vmem>> -> memref<32x1024xf32, #tpu.memory_space<vmem>>
    tpu.enqueue_dma source(%dma_start3A_317 : memref<32x1024xf32, #tpu.memory_space<vmem>>) target(%dma_start3A_314 : memref<32x1024xf32, #tpu.memory_space<hbm>>) target_semaphore(%arg8 : memref<!tpu.dma_semaphore, #tpu.memory_space<semaphore_mem>>)
    %add3A_318 = arith.constant 72 : i32
    %add3A_319 = arith.addi %mul3A_2, %add3A_318 : i32
    %dma_start3A_320 = arith.constant 1 : i32
    %dma_start3A_321 = arith.constant 0 : i32
    %dma_start3A_322 = arith.constant 0 : i32
    %dma_start3A_323 = tpu.memref_slice %arg4[%dma_start3A_321, %dma_start3A_322] : memref<32x1024xf32, #tpu.memory_space<vmem>> -> memref<32x1024xf32, #tpu.memory_space<vmem>>
    %dma_start3A_324 = arith.constant 0 : i32
    %dma_start3A_325 = tpu.memref_slice %arg3[%dma_start3A_320, %add3A_319, %dma_start3A_324] : memref<4x8192x1024xf32, #tpu.memory_space<hbm>> -> memref<1x32x1024xf32, #tpu.memory_space<hbm>>
    %dma_start3A_326 = tpu.memref_squeeze %dma_start3A_325 : memref<1x32x1024xf32, #tpu.memory_space<hbm>> -> memref<32x1024xf32, #tpu.memory_space<hbm>>
    %dma_start3A_327 = arith.constant 0 : i32
    %dma_start3A_328 = tpu.memref_slice %arg3[%dma_start3A_320, %add3A_319, %dma_start3A_327] : memref<4x8192x1024xf32, #tpu.memory_space<hbm>> -> memref<1x32x1024xf32, #tpu.memory_space<hbm>>
    %dma_start3A_329 = tpu.memref_squeeze %dma_start3A_328 : memref<1x32x1024xf32, #tpu.memory_space<hbm>> -> memref<32x1024xf32, #tpu.memory_space<hbm>>
    %dma_start3A_330 = arith.constant 0 : i32
    %dma_start3A_331 = arith.constant 0 : i32
    %dma_start3A_332 = tpu.memref_slice %arg4[%dma_start3A_330, %dma_start3A_331] : memref<32x1024xf32, #tpu.memory_space<vmem>> -> memref<32x1024xf32, #tpu.memory_space<vmem>>
    tpu.enqueue_dma source(%dma_start3A_332 : memref<32x1024xf32, #tpu.memory_space<vmem>>) target(%dma_start3A_329 : memref<32x1024xf32, #tpu.memory_space<hbm>>) target_semaphore(%arg8 : memref<!tpu.dma_semaphore, #tpu.memory_space<semaphore_mem>>)
    %add3A_333 = arith.constant 72 : i32
    %add3A_334 = arith.addi %mul3A_2, %add3A_333 : i32
    %dma_start3A_335 = arith.constant 2 : i32
    %dma_start3A_336 = arith.constant 0 : i32
    %dma_start3A_337 = arith.constant 0 : i32
    %dma_start3A_338 = tpu.memref_slice %arg4[%dma_start3A_336, %dma_start3A_337] : memref<32x1024xf32, #tpu.memory_space<vmem>> -> memref<32x1024xf32, #tpu.memory_space<vmem>>
    %dma_start3A_339 = arith.constant 0 : i32
    %dma_start3A_340 = tpu.memref_slice %arg3[%dma_start3A_335, %add3A_334, %dma_start3A_339] : memref<4x8192x1024xf32, #tpu.memory_space<hbm>> -> memref<1x32x1024xf32, #tpu.memory_space<hbm>>
    %dma_start3A_341 = tpu.memref_squeeze %dma_start3A_340 : memref<1x32x1024xf32, #tpu.memory_space<hbm>> -> memref<32x1024xf32, #tpu.memory_space<hbm>>
    %dma_start3A_342 = arith.constant 0 : i32
    %dma_start3A_343 = tpu.memref_slice %arg3[%dma_start3A_335, %add3A_334, %dma_start3A_342] : memref<4x8192x1024xf32, #tpu.memory_space<hbm>> -> memref<1x32x1024xf32, #tpu.memory_space<hbm>>
    %dma_start3A_344 = tpu.memref_squeeze %dma_start3A_343 : memref<1x32x1024xf32, #tpu.memory_space<hbm>> -> memref<32x1024xf32, #tpu.memory_space<hbm>>
    %dma_start3A_345 = arith.constant 0 : i32
    %dma_start3A_346 = arith.constant 0 : i32
    %dma_start3A_347 = tpu.memref_slice %arg4[%dma_start3A_345, %dma_start3A_346] : memref<32x1024xf32, #tpu.memory_space<vmem>> -> memref<32x1024xf32, #tpu.memory_space<vmem>>
    tpu.enqueue_dma source(%dma_start3A_347 : memref<32x1024xf32, #tpu.memory_space<vmem>>) target(%dma_start3A_344 : memref<32x1024xf32, #tpu.memory_space<hbm>>) target_semaphore(%arg8 : memref<!tpu.dma_semaphore, #tpu.memory_space<semaphore_mem>>)
    %add3A_348 = arith.constant 72 : i32
    %add3A_349 = arith.addi %mul3A_2, %add3A_348 : i32
    %dma_start3A_350 = arith.constant 3 : i32
    %dma_start3A_351 = arith.constant 0 : i32
    %dma_start3A_352 = arith.constant 0 : i32
    %dma_start3A_353 = tpu.memref_slice %arg4[%dma_start3A_351, %dma_start3A_352] : memref<32x1024xf32, #tpu.memory_space<vmem>> -> memref<32x1024xf32, #tpu.memory_space<vmem>>
    %dma_start3A_354 = arith.constant 0 : i32
    %dma_start3A_355 = tpu.memref_slice %arg3[%dma_start3A_350, %add3A_349, %dma_start3A_354] : memref<4x8192x1024xf32, #tpu.memory_space<hbm>> -> memref<1x32x1024xf32, #tpu.memory_space<hbm>>
    %dma_start3A_356 = tpu.memref_squeeze %dma_start3A_355 : memref<1x32x1024xf32, #tpu.memory_space<hbm>> -> memref<32x1024xf32, #tpu.memory_space<hbm>>
    %dma_start3A_357 = arith.constant 0 : i32
    %dma_start3A_358 = tpu.memref_slice %arg3[%dma_start3A_350, %add3A_349, %dma_start3A_357] : memref<4x8192x1024xf32, #tpu.memory_space<hbm>> -> memref<1x32x1024xf32, #tpu.memory_space<hbm>>
    %dma_start3A_359 = tpu.memref_squeeze %dma_start3A_358 : memref<1x32x1024xf32, #tpu.memory_space<hbm>> -> memref<32x1024xf32, #tpu.memory_space<hbm>>
    %dma_start3A_360 = arith.constant 0 : i32
    %dma_start3A_361 = arith.constant 0 : i32
    %dma_start3A_362 = tpu.memref_slice %arg4[%dma_start3A_360, %dma_start3A_361] : memref<32x1024xf32, #tpu.memory_space<vmem>> -> memref<32x1024xf32, #tpu.memory_space<vmem>>
    tpu.enqueue_dma source(%dma_start3A_362 : memref<32x1024xf32, #tpu.memory_space<vmem>>) target(%dma_start3A_359 : memref<32x1024xf32, #tpu.memory_space<hbm>>) target_semaphore(%arg8 : memref<!tpu.dma_semaphore, #tpu.memory_space<semaphore_mem>>)
    %dma_wait3A_363 = arith.constant 0 : i32
    %dma_wait3A_364 = arith.constant 0 : i32
    %dma_wait3A_365 = arith.constant 0 : i32
    %dma_wait3A_366 = tpu.memref_slice %arg4[%dma_wait3A_364, %dma_wait3A_365] : memref<32x1024xf32, #tpu.memory_space<vmem>> -> memref<32x1024xf32, #tpu.memory_space<vmem>>
    %dma_wait3A_367 = arith.constant 0 : i32
    %dma_wait3A_368 = tpu.memref_slice %arg3[%dma_wait3A_363, %add3A_304, %dma_wait3A_367] : memref<4x8192x1024xf32, #tpu.memory_space<hbm>> -> memref<1x32x1024xf32, #tpu.memory_space<hbm>>
    %dma_wait3A_369 = tpu.memref_squeeze %dma_wait3A_368 : memref<1x32x1024xf32, #tpu.memory_space<hbm>> -> memref<32x1024xf32, #tpu.memory_space<hbm>>
    %dma_wait3A_370 = arith.constant 0 : i32
    %dma_wait3A_371 = tpu.memref_slice %arg3[%dma_wait3A_363, %add3A_304, %dma_wait3A_370] : memref<4x8192x1024xf32, #tpu.memory_space<hbm>> -> memref<1x32x1024xf32, #tpu.memory_space<hbm>>
    %dma_wait3A_372 = tpu.memref_squeeze %dma_wait3A_371 : memref<1x32x1024xf32, #tpu.memory_space<hbm>> -> memref<32x1024xf32, #tpu.memory_space<hbm>>
    %dma_wait3A_373 = arith.constant 0 : i32
    %dma_wait3A_374 = arith.constant 0 : i32
    %dma_wait3A_375 = tpu.memref_slice %arg4[%dma_wait3A_373, %dma_wait3A_374] : memref<32x1024xf32, #tpu.memory_space<vmem>> -> memref<32x1024xf32, #tpu.memory_space<vmem>>
    tpu.wait_dma2 semaphore(%arg8 : memref<!tpu.dma_semaphore, #tpu.memory_space<semaphore_mem>>) src(%dma_wait3A_375 : memref<32x1024xf32, #tpu.memory_space<vmem>>) dst(%dma_wait3A_372 : memref<32x1024xf32, #tpu.memory_space<hbm>>)
    %dma_wait3A_376 = arith.constant 1 : i32
    %dma_wait3A_377 = arith.constant 0 : i32
    %dma_wait3A_378 = arith.constant 0 : i32
    %dma_wait3A_379 = tpu.memref_slice %arg4[%dma_wait3A_377, %dma_wait3A_378] : memref<32x1024xf32, #tpu.memory_space<vmem>> -> memref<32x1024xf32, #tpu.memory_space<vmem>>
    %dma_wait3A_380 = arith.constant 0 : i32
    %dma_wait3A_381 = tpu.memref_slice %arg3[%dma_wait3A_376, %add3A_319, %dma_wait3A_380] : memref<4x8192x1024xf32, #tpu.memory_space<hbm>> -> memref<1x32x1024xf32, #tpu.memory_space<hbm>>
    %dma_wait3A_382 = tpu.memref_squeeze %dma_wait3A_381 : memref<1x32x1024xf32, #tpu.memory_space<hbm>> -> memref<32x1024xf32, #tpu.memory_space<hbm>>
    %dma_wait3A_383 = arith.constant 0 : i32
    %dma_wait3A_384 = tpu.memref_slice %arg3[%dma_wait3A_376, %add3A_319, %dma_wait3A_383] : memref<4x8192x1024xf32, #tpu.memory_space<hbm>> -> memref<1x32x1024xf32, #tpu.memory_space<hbm>>
    %dma_wait3A_385 = tpu.memref_squeeze %dma_wait3A_384 : memref<1x32x1024xf32, #tpu.memory_space<hbm>> -> memref<32x1024xf32, #tpu.memory_space<hbm>>
    %dma_wait3A_386 = arith.constant 0 : i32
    %dma_wait3A_387 = arith.constant 0 : i32
    %dma_wait3A_388 = tpu.memref_slice %arg4[%dma_wait3A_386, %dma_wait3A_387] : memref<32x1024xf32, #tpu.memory_space<vmem>> -> memref<32x1024xf32, #tpu.memory_space<vmem>>
    tpu.wait_dma2 semaphore(%arg8 : memref<!tpu.dma_semaphore, #tpu.memory_space<semaphore_mem>>) src(%dma_wait3A_388 : memref<32x1024xf32, #tpu.memory_space<vmem>>) dst(%dma_wait3A_385 : memref<32x1024xf32, #tpu.memory_space<hbm>>)
    %dma_wait3A_389 = arith.constant 2 : i32
    %dma_wait3A_390 = arith.constant 0 : i32
    %dma_wait3A_391 = arith.constant 0 : i32
    %dma_wait3A_392 = tpu.memref_slice %arg4[%dma_wait3A_390, %dma_wait3A_391] : memref<32x1024xf32, #tpu.memory_space<vmem>> -> memref<32x1024xf32, #tpu.memory_space<vmem>>
    %dma_wait3A_393 = arith.constant 0 : i32
    %dma_wait3A_394 = tpu.memref_slice %arg3[%dma_wait3A_389, %add3A_334, %dma_wait3A_393] : memref<4x8192x1024xf32, #tpu.memory_space<hbm>> -> memref<1x32x1024xf32, #tpu.memory_space<hbm>>
    %dma_wait3A_395 = tpu.memref_squeeze %dma_wait3A_394 : memref<1x32x1024xf32, #tpu.memory_space<hbm>> -> memref<32x1024xf32, #tpu.memory_space<hbm>>
    %dma_wait3A_396 = arith.constant 0 : i32
    %dma_wait3A_397 = tpu.memref_slice %arg3[%dma_wait3A_389, %add3A_334, %dma_wait3A_396] : memref<4x8192x1024xf32, #tpu.memory_space<hbm>> -> memref<1x32x1024xf32, #tpu.memory_space<hbm>>
    %dma_wait3A_398 = tpu.memref_squeeze %dma_wait3A_397 : memref<1x32x1024xf32, #tpu.memory_space<hbm>> -> memref<32x1024xf32, #tpu.memory_space<hbm>>
    %dma_wait3A_399 = arith.constant 0 : i32
    %dma_wait3A_400 = arith.constant 0 : i32
    %dma_wait3A_401 = tpu.memref_slice %arg4[%dma_wait3A_399, %dma_wait3A_400] : memref<32x1024xf32, #tpu.memory_space<vmem>> -> memref<32x1024xf32, #tpu.memory_space<vmem>>
    tpu.wait_dma2 semaphore(%arg8 : memref<!tpu.dma_semaphore, #tpu.memory_space<semaphore_mem>>) src(%dma_wait3A_401 : memref<32x1024xf32, #tpu.memory_space<vmem>>) dst(%dma_wait3A_398 : memref<32x1024xf32, #tpu.memory_space<hbm>>)
    %dma_wait3A_402 = arith.constant 3 : i32
    %dma_wait3A_403 = arith.constant 0 : i32
    %dma_wait3A_404 = arith.constant 0 : i32
    %dma_wait3A_405 = tpu.memref_slice %arg4[%dma_wait3A_403, %dma_wait3A_404] : memref<32x1024xf32, #tpu.memory_space<vmem>> -> memref<32x1024xf32, #tpu.memory_space<vmem>>
    %dma_wait3A_406 = arith.constant 0 : i32
    %dma_wait3A_407 = tpu.memref_slice %arg3[%dma_wait3A_402, %add3A_349, %dma_wait3A_406] : memref<4x8192x1024xf32, #tpu.memory_space<hbm>> -> memref<1x32x1024xf32, #tpu.memory_space<hbm>>
    %dma_wait3A_408 = tpu.memref_squeeze %dma_wait3A_407 : memref<1x32x1024xf32, #tpu.memory_space<hbm>> -> memref<32x1024xf32, #tpu.memory_space<hbm>>
    %dma_wait3A_409 = arith.constant 0 : i32
    %dma_wait3A_410 = tpu.memref_slice %arg3[%dma_wait3A_402, %add3A_349, %dma_wait3A_409] : memref<4x8192x1024xf32, #tpu.memory_space<hbm>> -> memref<1x32x1024xf32, #tpu.memory_space<hbm>>
    %dma_wait3A_411 = tpu.memref_squeeze %dma_wait3A_410 : memref<1x32x1024xf32, #tpu.memory_space<hbm>> -> memref<32x1024xf32, #tpu.memory_space<hbm>>
    %dma_wait3A_412 = arith.constant 0 : i32
    %dma_wait3A_413 = arith.constant 0 : i32
    %dma_wait3A_414 = tpu.memref_slice %arg4[%dma_wait3A_412, %dma_wait3A_413] : memref<32x1024xf32, #tpu.memory_space<vmem>> -> memref<32x1024xf32, #tpu.memory_space<vmem>>
    tpu.wait_dma2 semaphore(%arg8 : memref<!tpu.dma_semaphore, #tpu.memory_space<semaphore_mem>>) src(%dma_wait3A_414 : memref<32x1024xf32, #tpu.memory_space<vmem>>) dst(%dma_wait3A_411 : memref<32x1024xf32, #tpu.memory_space<hbm>>)
    %add3A_415 = arith.constant 168 : i32
    %add3A_416 = arith.addi %mul3A_2, %add3A_415 : i32
    %dma_start3A_417 = arith.constant 0 : i32
    %dma_start3A_418 = arith.constant 0 : i32
    %dma_start3A_419 = tpu.memref_slice %arg4[%dma_start3A_417, %dma_start3A_418] : memref<32x1024xf32, #tpu.memory_space<vmem>> -> memref<32x1024xf32, #tpu.memory_space<vmem>>
    %dma_start3A_420 = arith.constant 0 : i32
    %dma_start3A_421 = tpu.memref_slice %arg2[%add3A_416, %dma_start3A_420] : memref<8192x1024xf32, #tpu.memory_space<hbm>> -> memref<32x1024xf32, #tpu.memory_space<hbm>>
    %dma_start3A_422 = arith.constant 0 : i32
    %dma_start3A_423 = arith.constant 0 : i32
    %dma_start3A_424 = tpu.memref_slice %arg4[%dma_start3A_422, %dma_start3A_423] : memref<32x1024xf32, #tpu.memory_space<vmem>> -> memref<32x1024xf32, #tpu.memory_space<vmem>>
    %dma_start3A_425 = arith.constant 0 : i32
    %dma_start3A_426 = tpu.memref_slice %arg2[%add3A_416, %dma_start3A_425] : memref<8192x1024xf32, #tpu.memory_space<hbm>> -> memref<32x1024xf32, #tpu.memory_space<hbm>>
    tpu.enqueue_dma source(%dma_start3A_426 : memref<32x1024xf32, #tpu.memory_space<hbm>>) target(%dma_start3A_424 : memref<32x1024xf32, #tpu.memory_space<vmem>>) target_semaphore(%arg6 : memref<!tpu.dma_semaphore, #tpu.memory_space<semaphore_mem>>)
    %dma_wait3A_427 = arith.constant 0 : i32
    %dma_wait3A_428 = arith.constant 0 : i32
    %dma_wait3A_429 = tpu.memref_slice %arg5[%dma_wait3A_427, %dma_wait3A_428] : memref<64x1024xf32, #tpu.memory_space<vmem>> -> memref<64x1024xf32, #tpu.memory_space<vmem>>
    %dma_wait3A_430 = arith.constant 0 : i32
    %dma_wait3A_431 = tpu.memref_slice %arg2[%add3A_282, %dma_wait3A_430] : memref<8192x1024xf32, #tpu.memory_space<hbm>> -> memref<64x1024xf32, #tpu.memory_space<hbm>>
    %dma_wait3A_432 = arith.constant 0 : i32
    %dma_wait3A_433 = arith.constant 0 : i32
    %dma_wait3A_434 = tpu.memref_slice %arg5[%dma_wait3A_432, %dma_wait3A_433] : memref<64x1024xf32, #tpu.memory_space<vmem>> -> memref<64x1024xf32, #tpu.memory_space<vmem>>
    %dma_wait3A_435 = arith.constant 0 : i32
    %dma_wait3A_436 = tpu.memref_slice %arg2[%add3A_282, %dma_wait3A_435] : memref<8192x1024xf32, #tpu.memory_space<hbm>> -> memref<64x1024xf32, #tpu.memory_space<hbm>>
    tpu.wait_dma2 semaphore(%arg7 : memref<!tpu.dma_semaphore, #tpu.memory_space<semaphore_mem>>) src(%dma_wait3A_436 : memref<64x1024xf32, #tpu.memory_space<hbm>>) dst(%dma_wait3A_434 : memref<64x1024xf32, #tpu.memory_space<vmem>>)
    %add3A_437 = arith.constant 104 : i32
    %add3A_438 = arith.addi %mul3A_2, %add3A_437 : i32
    %dma_start3A_439 = arith.constant 0 : i32
    %dma_start3A_440 = arith.constant 0 : i32
    %dma_start3A_441 = arith.constant 0 : i32
    %dma_start3A_442 = tpu.memref_slice %arg5[%dma_start3A_440, %dma_start3A_441] : memref<64x1024xf32, #tpu.memory_space<vmem>> -> memref<64x1024xf32, #tpu.memory_space<vmem>>
    %dma_start3A_443 = arith.constant 0 : i32
    %dma_start3A_444 = tpu.memref_slice %arg3[%dma_start3A_439, %add3A_438, %dma_start3A_443] : memref<4x8192x1024xf32, #tpu.memory_space<hbm>> -> memref<1x64x1024xf32, #tpu.memory_space<hbm>>
    %dma_start3A_445 = tpu.memref_squeeze %dma_start3A_444 : memref<1x64x1024xf32, #tpu.memory_space<hbm>> -> memref<64x1024xf32, #tpu.memory_space<hbm>>
    %dma_start3A_446 = arith.constant 0 : i32
    %dma_start3A_447 = tpu.memref_slice %arg3[%dma_start3A_439, %add3A_438, %dma_start3A_446] : memref<4x8192x1024xf32, #tpu.memory_space<hbm>> -> memref<1x64x1024xf32, #tpu.memory_space<hbm>>
    %dma_start3A_448 = tpu.memref_squeeze %dma_start3A_447 : memref<1x64x1024xf32, #tpu.memory_space<hbm>> -> memref<64x1024xf32, #tpu.memory_space<hbm>>
    %dma_start3A_449 = arith.constant 0 : i32
    %dma_start3A_450 = arith.constant 0 : i32
    %dma_start3A_451 = tpu.memref_slice %arg5[%dma_start3A_449, %dma_start3A_450] : memref<64x1024xf32, #tpu.memory_space<vmem>> -> memref<64x1024xf32, #tpu.memory_space<vmem>>
    tpu.enqueue_dma source(%dma_start3A_451 : memref<64x1024xf32, #tpu.memory_space<vmem>>) target(%dma_start3A_448 : memref<64x1024xf32, #tpu.memory_space<hbm>>) target_semaphore(%arg9 : memref<!tpu.dma_semaphore, #tpu.memory_space<semaphore_mem>>)
    %add3A_452 = arith.constant 104 : i32
    %add3A_453 = arith.addi %mul3A_2, %add3A_452 : i32
    %dma_start3A_454 = arith.constant 1 : i32
    %dma_start3A_455 = arith.constant 0 : i32
    %dma_start3A_456 = arith.constant 0 : i32
    %dma_start3A_457 = tpu.memref_slice %arg5[%dma_start3A_455, %dma_start3A_456] : memref<64x1024xf32, #tpu.memory_space<vmem>> -> memref<64x1024xf32, #tpu.memory_space<vmem>>
    %dma_start3A_458 = arith.constant 0 : i32
    %dma_start3A_459 = tpu.memref_slice %arg3[%dma_start3A_454, %add3A_453, %dma_start3A_458] : memref<4x8192x1024xf32, #tpu.memory_space<hbm>> -> memref<1x64x1024xf32, #tpu.memory_space<hbm>>
    %dma_start3A_460 = tpu.memref_squeeze %dma_start3A_459 : memref<1x64x1024xf32, #tpu.memory_space<hbm>> -> memref<64x1024xf32, #tpu.memory_space<hbm>>
    %dma_start3A_461 = arith.constant 0 : i32
    %dma_start3A_462 = tpu.memref_slice %arg3[%dma_start3A_454, %add3A_453, %dma_start3A_461] : memref<4x8192x1024xf32, #tpu.memory_space<hbm>> -> memref<1x64x1024xf32, #tpu.memory_space<hbm>>
    %dma_start3A_463 = tpu.memref_squeeze %dma_start3A_462 : memref<1x64x1024xf32, #tpu.memory_space<hbm>> -> memref<64x1024xf32, #tpu.memory_space<hbm>>
    %dma_start3A_464 = arith.constant 0 : i32
    %dma_start3A_465 = arith.constant 0 : i32
    %dma_start3A_466 = tpu.memref_slice %arg5[%dma_start3A_464, %dma_start3A_465] : memref<64x1024xf32, #tpu.memory_space<vmem>> -> memref<64x1024xf32, #tpu.memory_space<vmem>>
    tpu.enqueue_dma source(%dma_start3A_466 : memref<64x1024xf32, #tpu.memory_space<vmem>>) target(%dma_start3A_463 : memref<64x1024xf32, #tpu.memory_space<hbm>>) target_semaphore(%arg9 : memref<!tpu.dma_semaphore, #tpu.memory_space<semaphore_mem>>)
    %add3A_467 = arith.constant 104 : i32
    %add3A_468 = arith.addi %mul3A_2, %add3A_467 : i32
    %dma_start3A_469 = arith.constant 2 : i32
    %dma_start3A_470 = arith.constant 0 : i32
    %dma_start3A_471 = arith.constant 0 : i32
    %dma_start3A_472 = tpu.memref_slice %arg5[%dma_start3A_470, %dma_start3A_471] : memref<64x1024xf32, #tpu.memory_space<vmem>> -> memref<64x1024xf32, #tpu.memory_space<vmem>>
    %dma_start3A_473 = arith.constant 0 : i32
    %dma_start3A_474 = tpu.memref_slice %arg3[%dma_start3A_469, %add3A_468, %dma_start3A_473] : memref<4x8192x1024xf32, #tpu.memory_space<hbm>> -> memref<1x64x1024xf32, #tpu.memory_space<hbm>>
    %dma_start3A_475 = tpu.memref_squeeze %dma_start3A_474 : memref<1x64x1024xf32, #tpu.memory_space<hbm>> -> memref<64x1024xf32, #tpu.memory_space<hbm>>
    %dma_start3A_476 = arith.constant 0 : i32
    %dma_start3A_477 = tpu.memref_slice %arg3[%dma_start3A_469, %add3A_468, %dma_start3A_476] : memref<4x8192x1024xf32, #tpu.memory_space<hbm>> -> memref<1x64x1024xf32, #tpu.memory_space<hbm>>
    %dma_start3A_478 = tpu.memref_squeeze %dma_start3A_477 : memref<1x64x1024xf32, #tpu.memory_space<hbm>> -> memref<64x1024xf32, #tpu.memory_space<hbm>>
    %dma_start3A_479 = arith.constant 0 : i32
    %dma_start3A_480 = arith.constant 0 : i32
    %dma_start3A_481 = tpu.memref_slice %arg5[%dma_start3A_479, %dma_start3A_480] : memref<64x1024xf32, #tpu.memory_space<vmem>> -> memref<64x1024xf32, #tpu.memory_space<vmem>>
    tpu.enqueue_dma source(%dma_start3A_481 : memref<64x1024xf32, #tpu.memory_space<vmem>>) target(%dma_start3A_478 : memref<64x1024xf32, #tpu.memory_space<hbm>>) target_semaphore(%arg9 : memref<!tpu.dma_semaphore, #tpu.memory_space<semaphore_mem>>)
    %add3A_482 = arith.constant 104 : i32
    %add3A_483 = arith.addi %mul3A_2, %add3A_482 : i32
    %dma_start3A_484 = arith.constant 3 : i32
    %dma_start3A_485 = arith.constant 0 : i32
    %dma_start3A_486 = arith.constant 0 : i32
    %dma_start3A_487 = tpu.memref_slice %arg5[%dma_start3A_485, %dma_start3A_486] : memref<64x1024xf32, #tpu.memory_space<vmem>> -> memref<64x1024xf32, #tpu.memory_space<vmem>>
    %dma_start3A_488 = arith.constant 0 : i32
    %dma_start3A_489 = tpu.memref_slice %arg3[%dma_start3A_484, %add3A_483, %dma_start3A_488] : memref<4x8192x1024xf32, #tpu.memory_space<hbm>> -> memref<1x64x1024xf32, #tpu.memory_space<hbm>>
    %dma_start3A_490 = tpu.memref_squeeze %dma_start3A_489 : memref<1x64x1024xf32, #tpu.memory_space<hbm>> -> memref<64x1024xf32, #tpu.memory_space<hbm>>
    %dma_start3A_491 = arith.constant 0 : i32
    %dma_start3A_492 = tpu.memref_slice %arg3[%dma_start3A_484, %add3A_483, %dma_start3A_491] : memref<4x8192x1024xf32, #tpu.memory_space<hbm>> -> memref<1x64x1024xf32, #tpu.memory_space<hbm>>
    %dma_start3A_493 = tpu.memref_squeeze %dma_start3A_492 : memref<1x64x1024xf32, #tpu.memory_space<hbm>> -> memref<64x1024xf32, #tpu.memory_space<hbm>>
    %dma_start3A_494 = arith.constant 0 : i32
    %dma_start3A_495 = arith.constant 0 : i32
    %dma_start3A_496 = tpu.memref_slice %arg5[%dma_start3A_494, %dma_start3A_495] : memref<64x1024xf32, #tpu.memory_space<vmem>> -> memref<64x1024xf32, #tpu.memory_space<vmem>>
    tpu.enqueue_dma source(%dma_start3A_496 : memref<64x1024xf32, #tpu.memory_space<vmem>>) target(%dma_start3A_493 : memref<64x1024xf32, #tpu.memory_space<hbm>>) target_semaphore(%arg9 : memref<!tpu.dma_semaphore, #tpu.memory_space<semaphore_mem>>)
    %dma_wait3A_497 = arith.constant 0 : i32
    %dma_wait3A_498 = arith.constant 0 : i32
    %dma_wait3A_499 = arith.constant 0 : i32
    %dma_wait3A_500 = tpu.memref_slice %arg5[%dma_wait3A_498, %dma_wait3A_499] : memref<64x1024xf32, #tpu.memory_space<vmem>> -> memref<64x1024xf32, #tpu.memory_space<vmem>>
    %dma_wait3A_501 = arith.constant 0 : i32
    %dma_wait3A_502 = tpu.memref_slice %arg3[%dma_wait3A_497, %add3A_438, %dma_wait3A_501] : memref<4x8192x1024xf32, #tpu.memory_space<hbm>> -> memref<1x64x1024xf32, #tpu.memory_space<hbm>>
    %dma_wait3A_503 = tpu.memref_squeeze %dma_wait3A_502 : memref<1x64x1024xf32, #tpu.memory_space<hbm>> -> memref<64x1024xf32, #tpu.memory_space<hbm>>
    %dma_wait3A_504 = arith.constant 0 : i32
    %dma_wait3A_505 = tpu.memref_slice %arg3[%dma_wait3A_497, %add3A_438, %dma_wait3A_504] : memref<4x8192x1024xf32, #tpu.memory_space<hbm>> -> memref<1x64x1024xf32, #tpu.memory_space<hbm>>
    %dma_wait3A_506 = tpu.memref_squeeze %dma_wait3A_505 : memref<1x64x1024xf32, #tpu.memory_space<hbm>> -> memref<64x1024xf32, #tpu.memory_space<hbm>>
    %dma_wait3A_507 = arith.constant 0 : i32
    %dma_wait3A_508 = arith.constant 0 : i32
    %dma_wait3A_509 = tpu.memref_slice %arg5[%dma_wait3A_507, %dma_wait3A_508] : memref<64x1024xf32, #tpu.memory_space<vmem>> -> memref<64x1024xf32, #tpu.memory_space<vmem>>
    tpu.wait_dma2 semaphore(%arg9 : memref<!tpu.dma_semaphore, #tpu.memory_space<semaphore_mem>>) src(%dma_wait3A_509 : memref<64x1024xf32, #tpu.memory_space<vmem>>) dst(%dma_wait3A_506 : memref<64x1024xf32, #tpu.memory_space<hbm>>)
    %dma_wait3A_510 = arith.constant 1 : i32
    %dma_wait3A_511 = arith.constant 0 : i32
    %dma_wait3A_512 = arith.constant 0 : i32
    %dma_wait3A_513 = tpu.memref_slice %arg5[%dma_wait3A_511, %dma_wait3A_512] : memref<64x1024xf32, #tpu.memory_space<vmem>> -> memref<64x1024xf32, #tpu.memory_space<vmem>>
    %dma_wait3A_514 = arith.constant 0 : i32
    %dma_wait3A_515 = tpu.memref_slice %arg3[%dma_wait3A_510, %add3A_453, %dma_wait3A_514] : memref<4x8192x1024xf32, #tpu.memory_space<hbm>> -> memref<1x64x1024xf32, #tpu.memory_space<hbm>>
    %dma_wait3A_516 = tpu.memref_squeeze %dma_wait3A_515 : memref<1x64x1024xf32, #tpu.memory_space<hbm>> -> memref<64x1024xf32, #tpu.memory_space<hbm>>
    %dma_wait3A_517 = arith.constant 0 : i32
    %dma_wait3A_518 = tpu.memref_slice %arg3[%dma_wait3A_510, %add3A_453, %dma_wait3A_517] : memref<4x8192x1024xf32, #tpu.memory_space<hbm>> -> memref<1x64x1024xf32, #tpu.memory_space<hbm>>
    %dma_wait3A_519 = tpu.memref_squeeze %dma_wait3A_518 : memref<1x64x1024xf32, #tpu.memory_space<hbm>> -> memref<64x1024xf32, #tpu.memory_space<hbm>>
    %dma_wait3A_520 = arith.constant 0 : i32
    %dma_wait3A_521 = arith.constant 0 : i32
    %dma_wait3A_522 = tpu.memref_slice %arg5[%dma_wait3A_520, %dma_wait3A_521] : memref<64x1024xf32, #tpu.memory_space<vmem>> -> memref<64x1024xf32, #tpu.memory_space<vmem>>
    tpu.wait_dma2 semaphore(%arg9 : memref<!tpu.dma_semaphore, #tpu.memory_space<semaphore_mem>>) src(%dma_wait3A_522 : memref<64x1024xf32, #tpu.memory_space<vmem>>) dst(%dma_wait3A_519 : memref<64x1024xf32, #tpu.memory_space<hbm>>)
    %dma_wait3A_523 = arith.constant 2 : i32
    %dma_wait3A_524 = arith.constant 0 : i32
    %dma_wait3A_525 = arith.constant 0 : i32
    %dma_wait3A_526 = tpu.memref_slice %arg5[%dma_wait3A_524, %dma_wait3A_525] : memref<64x1024xf32, #tpu.memory_space<vmem>> -> memref<64x1024xf32, #tpu.memory_space<vmem>>
    %dma_wait3A_527 = arith.constant 0 : i32
    %dma_wait3A_528 = tpu.memref_slice %arg3[%dma_wait3A_523, %add3A_468, %dma_wait3A_527] : memref<4x8192x1024xf32, #tpu.memory_space<hbm>> -> memref<1x64x1024xf32, #tpu.memory_space<hbm>>
    %dma_wait3A_529 = tpu.memref_squeeze %dma_wait3A_528 : memref<1x64x1024xf32, #tpu.memory_space<hbm>> -> memref<64x1024xf32, #tpu.memory_space<hbm>>
    %dma_wait3A_530 = arith.constant 0 : i32
    %dma_wait3A_531 = tpu.memref_slice %arg3[%dma_wait3A_523, %add3A_468, %dma_wait3A_530] : memref<4x8192x1024xf32, #tpu.memory_space<hbm>> -> memref<1x64x1024xf32, #tpu.memory_space<hbm>>
    %dma_wait3A_532 = tpu.memref_squeeze %dma_wait3A_531 : memref<1x64x1024xf32, #tpu.memory_space<hbm>> -> memref<64x1024xf32, #tpu.memory_space<hbm>>
    %dma_wait3A_533 = arith.constant 0 : i32
    %dma_wait3A_534 = arith.constant 0 : i32
    %dma_wait3A_535 = tpu.memref_slice %arg5[%dma_wait3A_533, %dma_wait3A_534] : memref<64x1024xf32, #tpu.memory_space<vmem>> -> memref<64x1024xf32, #tpu.memory_space<vmem>>
    tpu.wait_dma2 semaphore(%arg9 : memref<!tpu.dma_semaphore, #tpu.memory_space<semaphore_mem>>) src(%dma_wait3A_535 : memref<64x1024xf32, #tpu.memory_space<vmem>>) dst(%dma_wait3A_532 : memref<64x1024xf32, #tpu.memory_space<hbm>>)
    %dma_wait3A_536 = arith.constant 3 : i32
    %dma_wait3A_537 = arith.constant 0 : i32
    %dma_wait3A_538 = arith.constant 0 : i32
    %dma_wait3A_539 = tpu.memref_slice %arg5[%dma_wait3A_537, %dma_wait3A_538] : memref<64x1024xf32, #tpu.memory_space<vmem>> -> memref<64x1024xf32, #tpu.memory_space<vmem>>
    %dma_wait3A_540 = arith.constant 0 : i32
    %dma_wait3A_541 = tpu.memref_slice %arg3[%dma_wait3A_536, %add3A_483, %dma_wait3A_540] : memref<4x8192x1024xf32, #tpu.memory_space<hbm>> -> memref<1x64x1024xf32, #tpu.memory_space<hbm>>
    %dma_wait3A_542 = tpu.memref_squeeze %dma_wait3A_541 : memref<1x64x1024xf32, #tpu.memory_space<hbm>> -> memref<64x1024xf32, #tpu.memory_space<hbm>>
    %dma_wait3A_543 = arith.constant 0 : i32
    %dma_wait3A_544 = tpu.memref_slice %arg3[%dma_wait3A_536, %add3A_483, %dma_wait3A_543] : memref<4x8192x1024xf32, #tpu.memory_space<hbm>> -> memref<1x64x1024xf32, #tpu.memory_space<hbm>>
    %dma_wait3A_545 = tpu.memref_squeeze %dma_wait3A_544 : memref<1x64x1024xf32, #tpu.memory_space<hbm>> -> memref<64x1024xf32, #tpu.memory_space<hbm>>
    %dma_wait3A_546 = arith.constant 0 : i32
    %dma_wait3A_547 = arith.constant 0 : i32
    %dma_wait3A_548 = tpu.memref_slice %arg5[%dma_wait3A_546, %dma_wait3A_547] : memref<64x1024xf32, #tpu.memory_space<vmem>> -> memref<64x1024xf32, #tpu.memory_space<vmem>>
    tpu.wait_dma2 semaphore(%arg9 : memref<!tpu.dma_semaphore, #tpu.memory_space<semaphore_mem>>) src(%dma_wait3A_548 : memref<64x1024xf32, #tpu.memory_space<vmem>>) dst(%dma_wait3A_545 : memref<64x1024xf32, #tpu.memory_space<hbm>>)
    %add3A_549 = arith.constant 200 : i32
    %add3A_550 = arith.addi %mul3A_2, %add3A_549 : i32
    %dma_start3A_551 = arith.constant 0 : i32
    %dma_start3A_552 = arith.constant 0 : i32
    %dma_start3A_553 = tpu.memref_slice %arg5[%dma_start3A_551, %dma_start3A_552] : memref<64x1024xf32, #tpu.memory_space<vmem>> -> memref<56x1024xf32, #tpu.memory_space<vmem>>
    %dma_start3A_554 = arith.constant 0 : i32
    %dma_start3A_555 = tpu.memref_slice %arg2[%add3A_550, %dma_start3A_554] : memref<8192x1024xf32, #tpu.memory_space<hbm>> -> memref<56x1024xf32, #tpu.memory_space<hbm>>
    %dma_start3A_556 = arith.constant 0 : i32
    %dma_start3A_557 = arith.constant 0 : i32
    %dma_start3A_558 = tpu.memref_slice %arg5[%dma_start3A_556, %dma_start3A_557] : memref<64x1024xf32, #tpu.memory_space<vmem>> -> memref<56x1024xf32, #tpu.memory_space<vmem>>
    %dma_start3A_559 = arith.constant 0 : i32
    %dma_start3A_560 = tpu.memref_slice %arg2[%add3A_550, %dma_start3A_559] : memref<8192x1024xf32, #tpu.memory_space<hbm>> -> memref<56x1024xf32, #tpu.memory_space<hbm>>
    tpu.enqueue_dma source(%dma_start3A_560 : memref<56x1024xf32, #tpu.memory_space<hbm>>) target(%dma_start3A_558 : memref<56x1024xf32, #tpu.memory_space<vmem>>) target_semaphore(%arg7 : memref<!tpu.dma_semaphore, #tpu.memory_space<semaphore_mem>>)
    %dma_wait3A_561 = arith.constant 0 : i32
    %dma_wait3A_562 = arith.constant 0 : i32
    %dma_wait3A_563 = tpu.memref_slice %arg4[%dma_wait3A_561, %dma_wait3A_562] : memref<32x1024xf32, #tpu.memory_space<vmem>> -> memref<32x1024xf32, #tpu.memory_space<vmem>>
    %dma_wait3A_564 = arith.constant 0 : i32
    %dma_wait3A_565 = tpu.memref_slice %arg2[%add3A_416, %dma_wait3A_564] : memref<8192x1024xf32, #tpu.memory_space<hbm>> -> memref<32x1024xf32, #tpu.memory_space<hbm>>
    %dma_wait3A_566 = arith.constant 0 : i32
    %dma_wait3A_567 = arith.constant 0 : i32
    %dma_wait3A_568 = tpu.memref_slice %arg4[%dma_wait3A_566, %dma_wait3A_567] : memref<32x1024xf32, #tpu.memory_space<vmem>> -> memref<32x1024xf32, #tpu.memory_space<vmem>>
    %dma_wait3A_569 = arith.constant 0 : i32
    %dma_wait3A_570 = tpu.memref_slice %arg2[%add3A_416, %dma_wait3A_569] : memref<8192x1024xf32, #tpu.memory_space<hbm>> -> memref<32x1024xf32, #tpu.memory_space<hbm>>
    tpu.wait_dma2 semaphore(%arg6 : memref<!tpu.dma_semaphore, #tpu.memory_space<semaphore_mem>>) src(%dma_wait3A_570 : memref<32x1024xf32, #tpu.memory_space<hbm>>) dst(%dma_wait3A_568 : memref<32x1024xf32, #tpu.memory_space<vmem>>)
    %add3A_571 = arith.constant 168 : i32
    %add3A_572 = arith.addi %mul3A_2, %add3A_571 : i32
    %dma_start3A_573 = arith.constant 0 : i32
    %dma_start3A_574 = arith.constant 0 : i32
    %dma_start3A_575 = arith.constant 0 : i32
    %dma_start3A_576 = tpu.memref_slice %arg4[%dma_start3A_574, %dma_start3A_575] : memref<32x1024xf32, #tpu.memory_space<vmem>> -> memref<32x1024xf32, #tpu.memory_space<vmem>>
    %dma_start3A_577 = arith.constant 0 : i32
    %dma_start3A_578 = tpu.memref_slice %arg3[%dma_start3A_573, %add3A_572, %dma_start3A_577] : memref<4x8192x1024xf32, #tpu.memory_space<hbm>> -> memref<1x32x1024xf32, #tpu.memory_space<hbm>>
    %dma_start3A_579 = tpu.memref_squeeze %dma_start3A_578 : memref<1x32x1024xf32, #tpu.memory_space<hbm>> -> memref<32x1024xf32, #tpu.memory_space<hbm>>
    %dma_start3A_580 = arith.constant 0 : i32
    %dma_start3A_581 = tpu.memref_slice %arg3[%dma_start3A_573, %add3A_572, %dma_start3A_580] : memref<4x8192x1024xf32, #tpu.memory_space<hbm>> -> memref<1x32x1024xf32, #tpu.memory_space<hbm>>
    %dma_start3A_582 = tpu.memref_squeeze %dma_start3A_581 : memref<1x32x1024xf32, #tpu.memory_space<hbm>> -> memref<32x1024xf32, #tpu.memory_space<hbm>>
    %dma_start3A_583 = arith.constant 0 : i32
    %dma_start3A_584 = arith.constant 0 : i32
    %dma_start3A_585 = tpu.memref_slice %arg4[%dma_start3A_583, %dma_start3A_584] : memref<32x1024xf32, #tpu.memory_space<vmem>> -> memref<32x1024xf32, #tpu.memory_space<vmem>>
    tpu.enqueue_dma source(%dma_start3A_585 : memref<32x1024xf32, #tpu.memory_space<vmem>>) target(%dma_start3A_582 : memref<32x1024xf32, #tpu.memory_space<hbm>>) target_semaphore(%arg8 : memref<!tpu.dma_semaphore, #tpu.memory_space<semaphore_mem>>)
    %add3A_586 = arith.constant 168 : i32
    %add3A_587 = arith.addi %mul3A_2, %add3A_586 : i32
    %dma_start3A_588 = arith.constant 1 : i32
    %dma_start3A_589 = arith.constant 0 : i32
    %dma_start3A_590 = arith.constant 0 : i32
    %dma_start3A_591 = tpu.memref_slice %arg4[%dma_start3A_589, %dma_start3A_590] : memref<32x1024xf32, #tpu.memory_space<vmem>> -> memref<32x1024xf32, #tpu.memory_space<vmem>>
    %dma_start3A_592 = arith.constant 0 : i32
    %dma_start3A_593 = tpu.memref_slice %arg3[%dma_start3A_588, %add3A_587, %dma_start3A_592] : memref<4x8192x1024xf32, #tpu.memory_space<hbm>> -> memref<1x32x1024xf32, #tpu.memory_space<hbm>>
    %dma_start3A_594 = tpu.memref_squeeze %dma_start3A_593 : memref<1x32x1024xf32, #tpu.memory_space<hbm>> -> memref<32x1024xf32, #tpu.memory_space<hbm>>
    %dma_start3A_595 = arith.constant 0 : i32
    %dma_start3A_596 = tpu.memref_slice %arg3[%dma_start3A_588, %add3A_587, %dma_start3A_595] : memref<4x8192x1024xf32, #tpu.memory_space<hbm>> -> memref<1x32x1024xf32, #tpu.memory_space<hbm>>
    %dma_start3A_597 = tpu.memref_squeeze %dma_start3A_596 : memref<1x32x1024xf32, #tpu.memory_space<hbm>> -> memref<32x1024xf32, #tpu.memory_space<hbm>>
    %dma_start3A_598 = arith.constant 0 : i32
    %dma_start3A_599 = arith.constant 0 : i32
    %dma_start3A_600 = tpu.memref_slice %arg4[%dma_start3A_598, %dma_start3A_599] : memref<32x1024xf32, #tpu.memory_space<vmem>> -> memref<32x1024xf32, #tpu.memory_space<vmem>>
    tpu.enqueue_dma source(%dma_start3A_600 : memref<32x1024xf32, #tpu.memory_space<vmem>>) target(%dma_start3A_597 : memref<32x1024xf32, #tpu.memory_space<hbm>>) target_semaphore(%arg8 : memref<!tpu.dma_semaphore, #tpu.memory_space<semaphore_mem>>)
    %add3A_601 = arith.constant 168 : i32
    %add3A_602 = arith.addi %mul3A_2, %add3A_601 : i32
    %dma_start3A_603 = arith.constant 2 : i32
    %dma_start3A_604 = arith.constant 0 : i32
    %dma_start3A_605 = arith.constant 0 : i32
    %dma_start3A_606 = tpu.memref_slice %arg4[%dma_start3A_604, %dma_start3A_605] : memref<32x1024xf32, #tpu.memory_space<vmem>> -> memref<32x1024xf32, #tpu.memory_space<vmem>>
    %dma_start3A_607 = arith.constant 0 : i32
    %dma_start3A_608 = tpu.memref_slice %arg3[%dma_start3A_603, %add3A_602, %dma_start3A_607] : memref<4x8192x1024xf32, #tpu.memory_space<hbm>> -> memref<1x32x1024xf32, #tpu.memory_space<hbm>>
    %dma_start3A_609 = tpu.memref_squeeze %dma_start3A_608 : memref<1x32x1024xf32, #tpu.memory_space<hbm>> -> memref<32x1024xf32, #tpu.memory_space<hbm>>
    %dma_start3A_610 = arith.constant 0 : i32
    %dma_start3A_611 = tpu.memref_slice %arg3[%dma_start3A_603, %add3A_602, %dma_start3A_610] : memref<4x8192x1024xf32, #tpu.memory_space<hbm>> -> memref<1x32x1024xf32, #tpu.memory_space<hbm>>
    %dma_start3A_612 = tpu.memref_squeeze %dma_start3A_611 : memref<1x32x1024xf32, #tpu.memory_space<hbm>> -> memref<32x1024xf32, #tpu.memory_space<hbm>>
    %dma_start3A_613 = arith.constant 0 : i32
    %dma_start3A_614 = arith.constant 0 : i32
    %dma_start3A_615 = tpu.memref_slice %arg4[%dma_start3A_613, %dma_start3A_614] : memref<32x1024xf32, #tpu.memory_space<vmem>> -> memref<32x1024xf32, #tpu.memory_space<vmem>>
    tpu.enqueue_dma source(%dma_start3A_615 : memref<32x1024xf32, #tpu.memory_space<vmem>>) target(%dma_start3A_612 : memref<32x1024xf32, #tpu.memory_space<hbm>>) target_semaphore(%arg8 : memref<!tpu.dma_semaphore, #tpu.memory_space<semaphore_mem>>)
    %add3A_616 = arith.constant 168 : i32
    %add3A_617 = arith.addi %mul3A_2, %add3A_616 : i32
    %dma_start3A_618 = arith.constant 3 : i32
    %dma_start3A_619 = arith.constant 0 : i32
    %dma_start3A_620 = arith.constant 0 : i32
    %dma_start3A_621 = tpu.memref_slice %arg4[%dma_start3A_619, %dma_start3A_620] : memref<32x1024xf32, #tpu.memory_space<vmem>> -> memref<32x1024xf32, #tpu.memory_space<vmem>>
    %dma_start3A_622 = arith.constant 0 : i32
    %dma_start3A_623 = tpu.memref_slice %arg3[%dma_start3A_618, %add3A_617, %dma_start3A_622] : memref<4x8192x1024xf32, #tpu.memory_space<hbm>> -> memref<1x32x1024xf32, #tpu.memory_space<hbm>>
    %dma_start3A_624 = tpu.memref_squeeze %dma_start3A_623 : memref<1x32x1024xf32, #tpu.memory_space<hbm>> -> memref<32x1024xf32, #tpu.memory_space<hbm>>
    %dma_start3A_625 = arith.constant 0 : i32
    %dma_start3A_626 = tpu.memref_slice %arg3[%dma_start3A_618, %add3A_617, %dma_start3A_625] : memref<4x8192x1024xf32, #tpu.memory_space<hbm>> -> memref<1x32x1024xf32, #tpu.memory_space<hbm>>
    %dma_start3A_627 = tpu.memref_squeeze %dma_start3A_626 : memref<1x32x1024xf32, #tpu.memory_space<hbm>> -> memref<32x1024xf32, #tpu.memory_space<hbm>>
    %dma_start3A_628 = arith.constant 0 : i32
    %dma_start3A_629 = arith.constant 0 : i32
    %dma_start3A_630 = tpu.memref_slice %arg4[%dma_start3A_628, %dma_start3A_629] : memref<32x1024xf32, #tpu.memory_space<vmem>> -> memref<32x1024xf32, #tpu.memory_space<vmem>>
    tpu.enqueue_dma source(%dma_start3A_630 : memref<32x1024xf32, #tpu.memory_space<vmem>>) target(%dma_start3A_627 : memref<32x1024xf32, #tpu.memory_space<hbm>>) target_semaphore(%arg8 : memref<!tpu.dma_semaphore, #tpu.memory_space<semaphore_mem>>)
    %dma_wait3A_631 = arith.constant 0 : i32
    %dma_wait3A_632 = arith.constant 0 : i32
    %dma_wait3A_633 = tpu.memref_slice %arg5[%dma_wait3A_631, %dma_wait3A_632] : memref<64x1024xf32, #tpu.memory_space<vmem>> -> memref<56x1024xf32, #tpu.memory_space<vmem>>
    %dma_wait3A_634 = arith.constant 0 : i32
    %dma_wait3A_635 = tpu.memref_slice %arg2[%add3A_550, %dma_wait3A_634] : memref<8192x1024xf32, #tpu.memory_space<hbm>> -> memref<56x1024xf32, #tpu.memory_space<hbm>>
    %dma_wait3A_636 = arith.constant 0 : i32
    %dma_wait3A_637 = arith.constant 0 : i32
    %dma_wait3A_638 = tpu.memref_slice %arg5[%dma_wait3A_636, %dma_wait3A_637] : memref<64x1024xf32, #tpu.memory_space<vmem>> -> memref<56x1024xf32, #tpu.memory_space<vmem>>
    %dma_wait3A_639 = arith.constant 0 : i32
    %dma_wait3A_640 = tpu.memref_slice %arg2[%add3A_550, %dma_wait3A_639] : memref<8192x1024xf32, #tpu.memory_space<hbm>> -> memref<56x1024xf32, #tpu.memory_space<hbm>>
    tpu.wait_dma2 semaphore(%arg7 : memref<!tpu.dma_semaphore, #tpu.memory_space<semaphore_mem>>) src(%dma_wait3A_640 : memref<56x1024xf32, #tpu.memory_space<hbm>>) dst(%dma_wait3A_638 : memref<56x1024xf32, #tpu.memory_space<vmem>>)
    %add3A_641 = arith.constant 200 : i32
    %add3A_642 = arith.addi %mul3A_2, %add3A_641 : i32
    %dma_start3A_643 = arith.constant 0 : i32
    %dma_start3A_644 = arith.constant 0 : i32
    %dma_start3A_645 = arith.constant 0 : i32
    %dma_start3A_646 = tpu.memref_slice %arg5[%dma_start3A_644, %dma_start3A_645] : memref<64x1024xf32, #tpu.memory_space<vmem>> -> memref<56x1024xf32, #tpu.memory_space<vmem>>
    %dma_start3A_647 = arith.constant 0 : i32
    %dma_start3A_648 = tpu.memref_slice %arg3[%dma_start3A_643, %add3A_642, %dma_start3A_647] : memref<4x8192x1024xf32, #tpu.memory_space<hbm>> -> memref<1x56x1024xf32, #tpu.memory_space<hbm>>
    %dma_start3A_649 = tpu.memref_squeeze %dma_start3A_648 : memref<1x56x1024xf32, #tpu.memory_space<hbm>> -> memref<56x1024xf32, #tpu.memory_space<hbm>>
    %dma_start3A_650 = arith.constant 0 : i32
    %dma_start3A_651 = tpu.memref_slice %arg3[%dma_start3A_643, %add3A_642, %dma_start3A_650] : memref<4x8192x1024xf32, #tpu.memory_space<hbm>> -> memref<1x56x1024xf32, #tpu.memory_space<hbm>>
    %dma_start3A_652 = tpu.memref_squeeze %dma_start3A_651 : memref<1x56x1024xf32, #tpu.memory_space<hbm>> -> memref<56x1024xf32, #tpu.memory_space<hbm>>
    %dma_start3A_653 = arith.constant 0 : i32
    %dma_start3A_654 = arith.constant 0 : i32
    %dma_start3A_655 = tpu.memref_slice %arg5[%dma_start3A_653, %dma_start3A_654] : memref<64x1024xf32, #tpu.memory_space<vmem>> -> memref<56x1024xf32, #tpu.memory_space<vmem>>
    tpu.enqueue_dma source(%dma_start3A_655 : memref<56x1024xf32, #tpu.memory_space<vmem>>) target(%dma_start3A_652 : memref<56x1024xf32, #tpu.memory_space<hbm>>) target_semaphore(%arg9 : memref<!tpu.dma_semaphore, #tpu.memory_space<semaphore_mem>>)
    %add3A_656 = arith.constant 200 : i32
    %add3A_657 = arith.addi %mul3A_2, %add3A_656 : i32
    %dma_start3A_658 = arith.constant 1 : i32
    %dma_start3A_659 = arith.constant 0 : i32
    %dma_start3A_660 = arith.constant 0 : i32
    %dma_start3A_661 = tpu.memref_slice %arg5[%dma_start3A_659, %dma_start3A_660] : memref<64x1024xf32, #tpu.memory_space<vmem>> -> memref<56x1024xf32, #tpu.memory_space<vmem>>
    %dma_start3A_662 = arith.constant 0 : i32
    %dma_start3A_663 = tpu.memref_slice %arg3[%dma_start3A_658, %add3A_657, %dma_start3A_662] : memref<4x8192x1024xf32, #tpu.memory_space<hbm>> -> memref<1x56x1024xf32, #tpu.memory_space<hbm>>
    %dma_start3A_664 = tpu.memref_squeeze %dma_start3A_663 : memref<1x56x1024xf32, #tpu.memory_space<hbm>> -> memref<56x1024xf32, #tpu.memory_space<hbm>>
    %dma_start3A_665 = arith.constant 0 : i32
    %dma_start3A_666 = tpu.memref_slice %arg3[%dma_start3A_658, %add3A_657, %dma_start3A_665] : memref<4x8192x1024xf32, #tpu.memory_space<hbm>> -> memref<1x56x1024xf32, #tpu.memory_space<hbm>>
    %dma_start3A_667 = tpu.memref_squeeze %dma_start3A_666 : memref<1x56x1024xf32, #tpu.memory_space<hbm>> -> memref<56x1024xf32, #tpu.memory_space<hbm>>
    %dma_start3A_668 = arith.constant 0 : i32
    %dma_start3A_669 = arith.constant 0 : i32
    %dma_start3A_670 = tpu.memref_slice %arg5[%dma_start3A_668, %dma_start3A_669] : memref<64x1024xf32, #tpu.memory_space<vmem>> -> memref<56x1024xf32, #tpu.memory_space<vmem>>
    tpu.enqueue_dma source(%dma_start3A_670 : memref<56x1024xf32, #tpu.memory_space<vmem>>) target(%dma_start3A_667 : memref<56x1024xf32, #tpu.memory_space<hbm>>) target_semaphore(%arg9 : memref<!tpu.dma_semaphore, #tpu.memory_space<semaphore_mem>>)
    %add3A_671 = arith.constant 200 : i32
    %add3A_672 = arith.addi %mul3A_2, %add3A_671 : i32
    %dma_start3A_673 = arith.constant 2 : i32
    %dma_start3A_674 = arith.constant 0 : i32
    %dma_start3A_675 = arith.constant 0 : i32
    %dma_start3A_676 = tpu.memref_slice %arg5[%dma_start3A_674, %dma_start3A_675] : memref<64x1024xf32, #tpu.memory_space<vmem>> -> memref<56x1024xf32, #tpu.memory_space<vmem>>
    %dma_start3A_677 = arith.constant 0 : i32
    %dma_start3A_678 = tpu.memref_slice %arg3[%dma_start3A_673, %add3A_672, %dma_start3A_677] : memref<4x8192x1024xf32, #tpu.memory_space<hbm>> -> memref<1x56x1024xf32, #tpu.memory_space<hbm>>
    %dma_start3A_679 = tpu.memref_squeeze %dma_start3A_678 : memref<1x56x1024xf32, #tpu.memory_space<hbm>> -> memref<56x1024xf32, #tpu.memory_space<hbm>>
    %dma_start3A_680 = arith.constant 0 : i32
    %dma_start3A_681 = tpu.memref_slice %arg3[%dma_start3A_673, %add3A_672, %dma_start3A_680] : memref<4x8192x1024xf32, #tpu.memory_space<hbm>> -> memref<1x56x1024xf32, #tpu.memory_space<hbm>>
    %dma_start3A_682 = tpu.memref_squeeze %dma_start3A_681 : memref<1x56x1024xf32, #tpu.memory_space<hbm>> -> memref<56x1024xf32, #tpu.memory_space<hbm>>
    %dma_start3A_683 = arith.constant 0 : i32
    %dma_start3A_684 = arith.constant 0 : i32
    %dma_start3A_685 = tpu.memref_slice %arg5[%dma_start3A_683, %dma_start3A_684] : memref<64x1024xf32, #tpu.memory_space<vmem>> -> memref<56x1024xf32, #tpu.memory_space<vmem>>
    tpu.enqueue_dma source(%dma_start3A_685 : memref<56x1024xf32, #tpu.memory_space<vmem>>) target(%dma_start3A_682 : memref<56x1024xf32, #tpu.memory_space<hbm>>) target_semaphore(%arg9 : memref<!tpu.dma_semaphore, #tpu.memory_space<semaphore_mem>>)
    %add3A_686 = arith.constant 200 : i32
    %add3A_687 = arith.addi %mul3A_2, %add3A_686 : i32
    %dma_start3A_688 = arith.constant 3 : i32
    %dma_start3A_689 = arith.constant 0 : i32
    %dma_start3A_690 = arith.constant 0 : i32
    %dma_start3A_691 = tpu.memref_slice %arg5[%dma_start3A_689, %dma_start3A_690] : memref<64x1024xf32, #tpu.memory_space<vmem>> -> memref<56x1024xf32, #tpu.memory_space<vmem>>
    %dma_start3A_692 = arith.constant 0 : i32
    %dma_start3A_693 = tpu.memref_slice %arg3[%dma_start3A_688, %add3A_687, %dma_start3A_692] : memref<4x8192x1024xf32, #tpu.memory_space<hbm>> -> memref<1x56x1024xf32, #tpu.memory_space<hbm>>
    %dma_start3A_694 = tpu.memref_squeeze %dma_start3A_693 : memref<1x56x1024xf32, #tpu.memory_space<hbm>> -> memref<56x1024xf32, #tpu.memory_space<hbm>>
    %dma_start3A_695 = arith.constant 0 : i32
    %dma_start3A_696 = tpu.memref_slice %arg3[%dma_start3A_688, %add3A_687, %dma_start3A_695] : memref<4x8192x1024xf32, #tpu.memory_space<hbm>> -> memref<1x56x1024xf32, #tpu.memory_space<hbm>>
    %dma_start3A_697 = tpu.memref_squeeze %dma_start3A_696 : memref<1x56x1024xf32, #tpu.memory_space<hbm>> -> memref<56x1024xf32, #tpu.memory_space<hbm>>
    %dma_start3A_698 = arith.constant 0 : i32
    %dma_start3A_699 = arith.constant 0 : i32
    %dma_start3A_700 = tpu.memref_slice %arg5[%dma_start3A_698, %dma_start3A_699] : memref<64x1024xf32, #tpu.memory_space<vmem>> -> memref<56x1024xf32, #tpu.memory_space<vmem>>
    tpu.enqueue_dma source(%dma_start3A_700 : memref<56x1024xf32, #tpu.memory_space<vmem>>) target(%dma_start3A_697 : memref<56x1024xf32, #tpu.memory_space<hbm>>) target_semaphore(%arg9 : memref<!tpu.dma_semaphore, #tpu.memory_space<semaphore_mem>>)
    %dma_wait3A_701 = arith.constant 0 : i32
    %dma_wait3A_702 = arith.constant 0 : i32
    %dma_wait3A_703 = arith.constant 0 : i32
    %dma_wait3A_704 = tpu.memref_slice %arg4[%dma_wait3A_702, %dma_wait3A_703] : memref<32x1024xf32, #tpu.memory_space<vmem>> -> memref<32x1024xf32, #tpu.memory_space<vmem>>
    %dma_wait3A_705 = arith.constant 0 : i32
    %dma_wait3A_706 = tpu.memref_slice %arg3[%dma_wait3A_701, %add3A_572, %dma_wait3A_705] : memref<4x8192x1024xf32, #tpu.memory_space<hbm>> -> memref<1x32x1024xf32, #tpu.memory_space<hbm>>
    %dma_wait3A_707 = tpu.memref_squeeze %dma_wait3A_706 : memref<1x32x1024xf32, #tpu.memory_space<hbm>> -> memref<32x1024xf32, #tpu.memory_space<hbm>>
    %dma_wait3A_708 = arith.constant 0 : i32
    %dma_wait3A_709 = tpu.memref_slice %arg3[%dma_wait3A_701, %add3A_572, %dma_wait3A_708] : memref<4x8192x1024xf32, #tpu.memory_space<hbm>> -> memref<1x32x1024xf32, #tpu.memory_space<hbm>>
    %dma_wait3A_710 = tpu.memref_squeeze %dma_wait3A_709 : memref<1x32x1024xf32, #tpu.memory_space<hbm>> -> memref<32x1024xf32, #tpu.memory_space<hbm>>
    %dma_wait3A_711 = arith.constant 0 : i32
    %dma_wait3A_712 = arith.constant 0 : i32
    %dma_wait3A_713 = tpu.memref_slice %arg4[%dma_wait3A_711, %dma_wait3A_712] : memref<32x1024xf32, #tpu.memory_space<vmem>> -> memref<32x1024xf32, #tpu.memory_space<vmem>>
    tpu.wait_dma2 semaphore(%arg8 : memref<!tpu.dma_semaphore, #tpu.memory_space<semaphore_mem>>) src(%dma_wait3A_713 : memref<32x1024xf32, #tpu.memory_space<vmem>>) dst(%dma_wait3A_710 : memref<32x1024xf32, #tpu.memory_space<hbm>>)
    %dma_wait3A_714 = arith.constant 1 : i32
    %dma_wait3A_715 = arith.constant 0 : i32
    %dma_wait3A_716 = arith.constant 0 : i32
    %dma_wait3A_717 = tpu.memref_slice %arg4[%dma_wait3A_715, %dma_wait3A_716] : memref<32x1024xf32, #tpu.memory_space<vmem>> -> memref<32x1024xf32, #tpu.memory_space<vmem>>
    %dma_wait3A_718 = arith.constant 0 : i32
    %dma_wait3A_719 = tpu.memref_slice %arg3[%dma_wait3A_714, %add3A_587, %dma_wait3A_718] : memref<4x8192x1024xf32, #tpu.memory_space<hbm>> -> memref<1x32x1024xf32, #tpu.memory_space<hbm>>
    %dma_wait3A_720 = tpu.memref_squeeze %dma_wait3A_719 : memref<1x32x1024xf32, #tpu.memory_space<hbm>> -> memref<32x1024xf32, #tpu.memory_space<hbm>>
    %dma_wait3A_721 = arith.constant 0 : i32
    %dma_wait3A_722 = tpu.memref_slice %arg3[%dma_wait3A_714, %add3A_587, %dma_wait3A_721] : memref<4x8192x1024xf32, #tpu.memory_space<hbm>> -> memref<1x32x1024xf32, #tpu.memory_space<hbm>>
    %dma_wait3A_723 = tpu.memref_squeeze %dma_wait3A_722 : memref<1x32x1024xf32, #tpu.memory_space<hbm>> -> memref<32x1024xf32, #tpu.memory_space<hbm>>
    %dma_wait3A_724 = arith.constant 0 : i32
    %dma_wait3A_725 = arith.constant 0 : i32
    %dma_wait3A_726 = tpu.memref_slice %arg4[%dma_wait3A_724, %dma_wait3A_725] : memref<32x1024xf32, #tpu.memory_space<vmem>> -> memref<32x1024xf32, #tpu.memory_space<vmem>>
    tpu.wait_dma2 semaphore(%arg8 : memref<!tpu.dma_semaphore, #tpu.memory_space<semaphore_mem>>) src(%dma_wait3A_726 : memref<32x1024xf32, #tpu.memory_space<vmem>>) dst(%dma_wait3A_723 : memref<32x1024xf32, #tpu.memory_space<hbm>>)
    %dma_wait3A_727 = arith.constant 2 : i32
    %dma_wait3A_728 = arith.constant 0 : i32
    %dma_wait3A_729 = arith.constant 0 : i32
    %dma_wait3A_730 = tpu.memref_slice %arg4[%dma_wait3A_728, %dma_wait3A_729] : memref<32x1024xf32, #tpu.memory_space<vmem>> -> memref<32x1024xf32, #tpu.memory_space<vmem>>
    %dma_wait3A_731 = arith.constant 0 : i32
    %dma_wait3A_732 = tpu.memref_slice %arg3[%dma_wait3A_727, %add3A_602, %dma_wait3A_731] : memref<4x8192x1024xf32, #tpu.memory_space<hbm>> -> memref<1x32x1024xf32, #tpu.memory_space<hbm>>
    %dma_wait3A_733 = tpu.memref_squeeze %dma_wait3A_732 : memref<1x32x1024xf32, #tpu.memory_space<hbm>> -> memref<32x1024xf32, #tpu.memory_space<hbm>>
    %dma_wait3A_734 = arith.constant 0 : i32
    %dma_wait3A_735 = tpu.memref_slice %arg3[%dma_wait3A_727, %add3A_602, %dma_wait3A_734] : memref<4x8192x1024xf32, #tpu.memory_space<hbm>> -> memref<1x32x1024xf32, #tpu.memory_space<hbm>>
    %dma_wait3A_736 = tpu.memref_squeeze %dma_wait3A_735 : memref<1x32x1024xf32, #tpu.memory_space<hbm>> -> memref<32x1024xf32, #tpu.memory_space<hbm>>
    %dma_wait3A_737 = arith.constant 0 : i32
    %dma_wait3A_738 = arith.constant 0 : i32
    %dma_wait3A_739 = tpu.memref_slice %arg4[%dma_wait3A_737, %dma_wait3A_738] : memref<32x1024xf32, #tpu.memory_space<vmem>> -> memref<32x1024xf32, #tpu.memory_space<vmem>>
    tpu.wait_dma2 semaphore(%arg8 : memref<!tpu.dma_semaphore, #tpu.memory_space<semaphore_mem>>) src(%dma_wait3A_739 : memref<32x1024xf32, #tpu.memory_space<vmem>>) dst(%dma_wait3A_736 : memref<32x1024xf32, #tpu.memory_space<hbm>>)
    %dma_wait3A_740 = arith.constant 3 : i32
    %dma_wait3A_741 = arith.constant 0 : i32
    %dma_wait3A_742 = arith.constant 0 : i32
    %dma_wait3A_743 = tpu.memref_slice %arg4[%dma_wait3A_741, %dma_wait3A_742] : memref<32x1024xf32, #tpu.memory_space<vmem>> -> memref<32x1024xf32, #tpu.memory_space<vmem>>
    %dma_wait3A_744 = arith.constant 0 : i32
    %dma_wait3A_745 = tpu.memref_slice %arg3[%dma_wait3A_740, %add3A_617, %dma_wait3A_744] : memref<4x8192x1024xf32, #tpu.memory_space<hbm>> -> memref<1x32x1024xf32, #tpu.memory_space<hbm>>
    %dma_wait3A_746 = tpu.memref_squeeze %dma_wait3A_745 : memref<1x32x1024xf32, #tpu.memory_space<hbm>> -> memref<32x1024xf32, #tpu.memory_space<hbm>>
    %dma_wait3A_747 = arith.constant 0 : i32
    %dma_wait3A_748 = tpu.memref_slice %arg3[%dma_wait3A_740, %add3A_617, %dma_wait3A_747] : memref<4x8192x1024xf32, #tpu.memory_space<hbm>> -> memref<1x32x1024xf32, #tpu.memory_space<hbm>>
    %dma_wait3A_749 = tpu.memref_squeeze %dma_wait3A_748 : memref<1x32x1024xf32, #tpu.memory_space<hbm>> -> memref<32x1024xf32, #tpu.memory_space<hbm>>
    %dma_wait3A_750 = arith.constant 0 : i32
    %dma_wait3A_751 = arith.constant 0 : i32
    %dma_wait3A_752 = tpu.memref_slice %arg4[%dma_wait3A_750, %dma_wait3A_751] : memref<32x1024xf32, #tpu.memory_space<vmem>> -> memref<32x1024xf32, #tpu.memory_space<vmem>>
    tpu.wait_dma2 semaphore(%arg8 : memref<!tpu.dma_semaphore, #tpu.memory_space<semaphore_mem>>) src(%dma_wait3A_752 : memref<32x1024xf32, #tpu.memory_space<vmem>>) dst(%dma_wait3A_749 : memref<32x1024xf32, #tpu.memory_space<hbm>>)
    %dma_wait3A_753 = arith.constant 0 : i32
    %dma_wait3A_754 = arith.constant 0 : i32
    %dma_wait3A_755 = arith.constant 0 : i32
    %dma_wait3A_756 = tpu.memref_slice %arg5[%dma_wait3A_754, %dma_wait3A_755] : memref<64x1024xf32, #tpu.memory_space<vmem>> -> memref<56x1024xf32, #tpu.memory_space<vmem>>
    %dma_wait3A_757 = arith.constant 0 : i32
    %dma_wait3A_758 = tpu.memref_slice %arg3[%dma_wait3A_753, %add3A_642, %dma_wait3A_757] : memref<4x8192x1024xf32, #tpu.memory_space<hbm>> -> memref<1x56x1024xf32, #tpu.memory_space<hbm>>
    %dma_wait3A_759 = tpu.memref_squeeze %dma_wait3A_758 : memref<1x56x1024xf32, #tpu.memory_space<hbm>> -> memref<56x1024xf32, #tpu.memory_space<hbm>>
    %dma_wait3A_760 = arith.constant 0 : i32
    %dma_wait3A_761 = tpu.memref_slice %arg3[%dma_wait3A_753, %add3A_642, %dma_wait3A_760] : memref<4x8192x1024xf32, #tpu.memory_space<hbm>> -> memref<1x56x1024xf32, #tpu.memory_space<hbm>>
    %dma_wait3A_762 = tpu.memref_squeeze %dma_wait3A_761 : memref<1x56x1024xf32, #tpu.memory_space<hbm>> -> memref<56x1024xf32, #tpu.memory_space<hbm>>
    %dma_wait3A_763 = arith.constant 0 : i32
    %dma_wait3A_764 = arith.constant 0 : i32
    %dma_wait3A_765 = tpu.memref_slice %arg5[%dma_wait3A_763, %dma_wait3A_764] : memref<64x1024xf32, #tpu.memory_space<vmem>> -> memref<56x1024xf32, #tpu.memory_space<vmem>>
    tpu.wait_dma2 semaphore(%arg9 : memref<!tpu.dma_semaphore, #tpu.memory_space<semaphore_mem>>) src(%dma_wait3A_765 : memref<56x1024xf32, #tpu.memory_space<vmem>>) dst(%dma_wait3A_762 : memref<56x1024xf32, #tpu.memory_space<hbm>>)
    %dma_wait3A_766 = arith.constant 1 : i32
    %dma_wait3A_767 = arith.constant 0 : i32
    %dma_wait3A_768 = arith.constant 0 : i32
    %dma_wait3A_769 = tpu.memref_slice %arg5[%dma_wait3A_767, %dma_wait3A_768] : memref<64x1024xf32, #tpu.memory_space<vmem>> -> memref<56x1024xf32, #tpu.memory_space<vmem>>
    %dma_wait3A_770 = arith.constant 0 : i32
    %dma_wait3A_771 = tpu.memref_slice %arg3[%dma_wait3A_766, %add3A_657, %dma_wait3A_770] : memref<4x8192x1024xf32, #tpu.memory_space<hbm>> -> memref<1x56x1024xf32, #tpu.memory_space<hbm>>
    %dma_wait3A_772 = tpu.memref_squeeze %dma_wait3A_771 : memref<1x56x1024xf32, #tpu.memory_space<hbm>> -> memref<56x1024xf32, #tpu.memory_space<hbm>>
    %dma_wait3A_773 = arith.constant 0 : i32
    %dma_wait3A_774 = tpu.memref_slice %arg3[%dma_wait3A_766, %add3A_657, %dma_wait3A_773] : memref<4x8192x1024xf32, #tpu.memory_space<hbm>> -> memref<1x56x1024xf32, #tpu.memory_space<hbm>>
    %dma_wait3A_775 = tpu.memref_squeeze %dma_wait3A_774 : memref<1x56x1024xf32, #tpu.memory_space<hbm>> -> memref<56x1024xf32, #tpu.memory_space<hbm>>
    %dma_wait3A_776 = arith.constant 0 : i32
    %dma_wait3A_777 = arith.constant 0 : i32
    %dma_wait3A_778 = tpu.memref_slice %arg5[%dma_wait3A_776, %dma_wait3A_777] : memref<64x1024xf32, #tpu.memory_space<vmem>> -> memref<56x1024xf32, #tpu.memory_space<vmem>>
    tpu.wait_dma2 semaphore(%arg9 : memref<!tpu.dma_semaphore, #tpu.memory_space<semaphore_mem>>) src(%dma_wait3A_778 : memref<56x1024xf32, #tpu.memory_space<vmem>>) dst(%dma_wait3A_775 : memref<56x1024xf32, #tpu.memory_space<hbm>>)
    %dma_wait3A_779 = arith.constant 2 : i32
    %dma_wait3A_780 = arith.constant 0 : i32
    %dma_wait3A_781 = arith.constant 0 : i32
    %dma_wait3A_782 = tpu.memref_slice %arg5[%dma_wait3A_780, %dma_wait3A_781] : memref<64x1024xf32, #tpu.memory_space<vmem>> -> memref<56x1024xf32, #tpu.memory_space<vmem>>
    %dma_wait3A_783 = arith.constant 0 : i32
    %dma_wait3A_784 = tpu.memref_slice %arg3[%dma_wait3A_779, %add3A_672, %dma_wait3A_783] : memref<4x8192x1024xf32, #tpu.memory_space<hbm>> -> memref<1x56x1024xf32, #tpu.memory_space<hbm>>
    %dma_wait3A_785 = tpu.memref_squeeze %dma_wait3A_784 : memref<1x56x1024xf32, #tpu.memory_space<hbm>> -> memref<56x1024xf32, #tpu.memory_space<hbm>>
    %dma_wait3A_786 = arith.constant 0 : i32
    %dma_wait3A_787 = tpu.memref_slice %arg3[%dma_wait3A_779, %add3A_672, %dma_wait3A_786] : memref<4x8192x1024xf32, #tpu.memory_space<hbm>> -> memref<1x56x1024xf32, #tpu.memory_space<hbm>>
    %dma_wait3A_788 = tpu.memref_squeeze %dma_wait3A_787 : memref<1x56x1024xf32, #tpu.memory_space<hbm>> -> memref<56x1024xf32, #tpu.memory_space<hbm>>
    %dma_wait3A_789 = arith.constant 0 : i32
    %dma_wait3A_790 = arith.constant 0 : i32
    %dma_wait3A_791 = tpu.memref_slice %arg5[%dma_wait3A_789, %dma_wait3A_790] : memref<64x1024xf32, #tpu.memory_space<vmem>> -> memref<56x1024xf32, #tpu.memory_space<vmem>>
    tpu.wait_dma2 semaphore(%arg9 : memref<!tpu.dma_semaphore, #tpu.memory_space<semaphore_mem>>) src(%dma_wait3A_791 : memref<56x1024xf32, #tpu.memory_space<vmem>>) dst(%dma_wait3A_788 : memref<56x1024xf32, #tpu.memory_space<hbm>>)
    %dma_wait3A_792 = arith.constant 3 : i32
    %dma_wait3A_793 = arith.constant 0 : i32
    %dma_wait3A_794 = arith.constant 0 : i32
    %dma_wait3A_795 = tpu.memref_slice %arg5[%dma_wait3A_793, %dma_wait3A_794] : memref<64x1024xf32, #tpu.memory_space<vmem>> -> memref<56x1024xf32, #tpu.memory_space<vmem>>
    %dma_wait3A_796 = arith.constant 0 : i32
    %dma_wait3A_797 = tpu.memref_slice %arg3[%dma_wait3A_792, %add3A_687, %dma_wait3A_796] : memref<4x8192x1024xf32, #tpu.memory_space<hbm>> -> memref<1x56x1024xf32, #tpu.memory_space<hbm>>
    %dma_wait3A_798 = tpu.memref_squeeze %dma_wait3A_797 : memref<1x56x1024xf32, #tpu.memory_space<hbm>> -> memref<56x1024xf32, #tpu.memory_space<hbm>>
    %dma_wait3A_799 = arith.constant 0 : i32
    %dma_wait3A_800 = tpu.memref_slice %arg3[%dma_wait3A_792, %add3A_687, %dma_wait3A_799] : memref<4x8192x1024xf32, #tpu.memory_space<hbm>> -> memref<1x56x1024xf32, #tpu.memory_space<hbm>>
    %dma_wait3A_801 = tpu.memref_squeeze %dma_wait3A_800 : memref<1x56x1024xf32, #tpu.memory_space<hbm>> -> memref<56x1024xf32, #tpu.memory_space<hbm>>
    %dma_wait3A_802 = arith.constant 0 : i32
    %dma_wait3A_803 = arith.constant 0 : i32
    %dma_wait3A_804 = tpu.memref_slice %arg5[%dma_wait3A_802, %dma_wait3A_803] : memref<64x1024xf32, #tpu.memory_space<vmem>> -> memref<56x1024xf32, #tpu.memory_space<vmem>>
    tpu.wait_dma2 semaphore(%arg9 : memref<!tpu.dma_semaphore, #tpu.memory_space<semaphore_mem>>) src(%dma_wait3A_804 : memref<56x1024xf32, #tpu.memory_space<vmem>>) dst(%dma_wait3A_801 : memref<56x1024xf32, #tpu.memory_space<hbm>>)
    return
  }
}

</mosaic_0001>

<sc_bundles>
// kernel: kernel.3.cloned.1.call-start
scs
__scs_entry_jumppad:
0x0: {  	(pc) =	sbr.rel $0x88, $3  }
0x1: {  	(tag) =	ssettag $0x0;
	lr =	simm.s32 $0x1  }
0x2: {  	[smem:$0x3FA0] =	sst lr;
	_ =	strace $0xD0000000  }
0x3: {  	_ = 	snop  }
0x4: {  	_ = 	snop  }
0x5: {  	_ = 	snop  }
0x6: {  	_ = 	snop  }
0x7: {  	_ = 	snop  }
__scs_overlays_trampoline_lowered:
0x8: {  	[smem:$0x3FAF] =	sst s0  }
0x9: {  	[smem:$0x3FB0] =	sst s1  }
0xa: {  	[smem:$0x3FB1] =	sst s2  }
0xb: {  	[smem:$0x3FB2] =	sst s3  }
0xc: {  	[smem:$0x3FB3] =	sst s4  }
0xd: {  	[smem:$0x3FB4] =	sst s5  }
0xe: {  	[smem:$0x3FB5] =	sst s6  }
0xf: {  	[smem:$0x3FB6] =	sst s7  }
0x10: {  	[smem:$0x3FB7] =	sst s8  }
0x11: {  	[smem:$0x3FB8] =	sst s9;
	s0 =	simm.s32 @!p0 $0x0  }
0x12: {  	s1 =	sld [smem:$0x3F9E];
	s0 =	simm.s32 @p0 $0x1  }
0x13: {  	[smem:$0x3FB9] =	sst s0;
	s0 =	simm.s32 @!p1 $0x0  }
0x14: {  	s2 =	sld [smem:$0x3F9D];
	s0 =	simm.s32 @p1 $0x1  }
0x15: {  	[smem:$0x3FBA] =	sst s0;
	s0 =	simm.s32 @!p2 $0x0  }
0x16: {  	s3 =	sld [smem:$0x3FDB];
	s0 =	simm.s32 @p2 $0x1  }
0x17: {  	s4 =	simm.s32 $0x1BF5;
	[smem:$0x3FBC] =	sst s0  }
0x18: {  	s0 =	sld [smem:$0x3F9F];
	_ =	swait.ge [sflag:s4], $0x0  }
0x19: {  	s7 =	sld [smem:$0x3FA0]  }
0x1a: {  	s8 =	sadd.s32 $0xFFFFE003, lr  }
0x1b: {  	s9 =	sadd.s32 $0xFFFFFEF7, lr;
	s5 =	simm.s32 $0xFFFFFFFF;
	p2 =	slt.u32 s8, $0xFFFFF086  }
0x1c: {  	p1 =	slt.u32 s9, $0xF7A;
	s5 =	simm.s32 @!p2 $0x0  }
0x1d: {  	s5 =	simm.s32 @p1 $0x1;
	p0 =	seq.s32 s7, s2  }
0x1e: {  	s7 =	smul.u32 @!p0 $0xF7A, s2;
	p2 =	seq.s32 @!p0 s5, $0x0  }
0x1f: {  	s9 =	smul.u32 $0xF7A, s1;
	s8 =	simm.s32 @!p0 $0x1BF5;
	p2 =	por !p2, p0  }
0x20: {  	[sflag:s8] =	ssyncset.s32 @!p0 $0xFFFFF086;
	s6 =	sadd.s32 @!p0 s3, s7;
	s7 =	simm.s32 @!p0 $0x108  }
0x21: {  	s3 =	sadd.s32 s3, s9;
	s6 =	sadd.s32 @!p0 $0x88, s6;
	s7 =	simm.s32 @p2 $0x1082  }
0x22: {  	[simem:s7], [sflag:s8] =	dma.local @!p0 [hbm:s6], $0xF7A  }
0x23: {  	s9 =	sor.u32 $0xD0000000, s2;
	s6 =	simm.s32 $0x108;
	_ =	swait.ge @!p0 [sflag:s8], $0x0  }
0x24: {  	s3 =	sadd.s32 $0x88, s3;
	s6 =	simm.s32 @!p1 $0x1082;
	[sflag:s4] =	ssyncset.s32 $0xFFFFF086  }
0x25: {  	[simem:s6], [sflag:s4] =	dma.local [hbm:s3], $0xF7A  }
0x26: {  	[smem:$0x3FA0] =	sst s1;
	(tag) =	ssettag s2;
	_ =	strace s9  }
0x27: {  	s1 =	sld [smem:$0x3FB0]  }
0x28: {  	s2 =	sld [smem:$0x3FB1]  }
0x29: {  	s4 =	sld [smem:$0x3FB3]  }
0x2a: {  	p0 =	seq.s32 s5, $0x0;
	s5 =	sld [smem:$0x3FB4]  }
0x2b: {  	s6 =	sld [smem:$0x3FB5]  }
0x2c: {  	s7 =	sld [smem:$0x3FB6]  }
0x2d: {  	s3 =	simm.s32 $0x108;
	s8 =	sld [smem:$0x3FB7]  }
0x2e: {  	s3 =	simm.s32 @!p0 $0x1082;
	s9 =	sld [smem:$0x3FB8]  }
0x2f: {  	lr =	sadd.s32 s0, s3;
	s0 =	sld [smem:$0x3FAF]  }
0x30: {  	s3 =	sld [smem:$0x3FB2]  }
0x31: {  	[smem:$0x3FBB] =	sst s10  }
0x32: {  	s10 =	sld [smem:$0x3FB9];
	_ =	sdelay $0x3  }
0x33: {  	p0 =	seq.s32 s10, $0x1;
	s10 =	sld [smem:$0x3FBB];
	_ =	sdelay $0x3  }
0x34: {  	[smem:$0x3FBB] =	sst s10  }
0x35: {  	s10 =	sld [smem:$0x3FBA];
	_ =	sdelay $0x3  }
0x36: {  	p1 =	seq.s32 s10, $0x1;
	s10 =	sld [smem:$0x3FBB];
	_ =	sdelay $0x3  }
0x37: {  	[smem:$0x3FBB] =	sst s10  }
0x38: {  	s10 =	sld [smem:$0x3FBC]  }
0x39: {  	_ = 	snop;
	(pc) =	sbr.ind lr, $3  }
0x3a: {  	_ = 	snop  }
0x3b: {  	_ = 	snop  }
0x3c: {  	p2 =	seq.s32 s10, $0x1;
	s10 =	sld [smem:$0x3FBB]  }
0x3d: {  	_ =	shalt  }
0x3e: {  	_ =	shalt  }
0x3f: {  	_ =	shalt  }
0x40: {  	_ =	shalt  }
0x41: {  	_ =	shalt  }
0x42: {  	_ =	shalt  }
0x43: {  	_ =	shalt  }
0x44: {  	_ =	shalt  }
0x45: {  	_ =	shalt  }
0x46: {  	_ =	shalt  }
0x47: {  	_ =	shalt  }
0x48: {  	_ =	shalt  }
0x49: {  	_ =	shalt  }
0x4a: {  	_ =	shalt  }
0x4b: {  	_ =	shalt  }
0x4c: {  	_ =	shalt  }
0x4d: {  	_ =	shalt  }
0x4e: {  	_ =	shalt  }
0x4f: {  	_ =	shalt  }
0x50: {  	_ =	shalt  }
0x51: {  	_ =	shalt  }
0x52: {  	_ =	shalt  }
0x53: {  	_ =	shalt  }
0x54: {  	_ =	shalt  }
0x55: {  	_ =	shalt  }
0x56: {  	_ =	shalt  }
0x57: {  	_ =	shalt  }
0x58: {  	_ =	shalt  }
0x59: {  	_ =	shalt  }
0x5a: {  	_ =	shalt  }
0x5b: {  	_ =	shalt  }
0x5c: {  	_ =	shalt  }
0x5d: {  	_ =	shalt  }
0x5e: {  	_ =	shalt  }
0x5f: {  	_ =	shalt  }
0x60: {  	_ =	shalt  }
0x61: {  	_ =	shalt  }
0x62: {  	_ =	shalt  }
0x63: {  	_ =	shalt  }
0x64: {  	_ =	shalt  }
0x65: {  	_ =	shalt  }
0x66: {  	_ =	shalt  }
0x67: {  	_ =	shalt  }
0x68: {  	_ =	shalt  }
0x69: {  	_ =	shalt  }
0x6a: {  	_ =	shalt  }
0x6b: {  	_ =	shalt  }
0x6c: {  	_ =	shalt  }
0x6d: {  	_ =	shalt  }
0x6e: {  	_ =	shalt  }
0x6f: {  	_ =	shalt  }
0x70: {  	_ =	shalt  }
0x71: {  	_ =	shalt  }
0x72: {  	_ =	shalt  }
0x73: {  	_ =	shalt  }
0x74: {  	_ =	shalt  }
0x75: {  	_ =	shalt  }
0x76: {  	_ =	shalt  }
0x77: {  	_ =	shalt  }
0x78: {  	_ =	shalt  }
0x79: {  	_ =	shalt  }
0x7a: {  	_ =	shalt  }
0x7b: {  	_ =	shalt  }
0x7c: {  	_ =	shalt  }
0x7d: {  	_ =	shalt  }
0x7e: {  	_ =	shalt  }
0x7f: {  	_ =	shalt  }
0x80: {  	_ =	shalt  }
0x81: {  	_ =	shalt  }
0x82: {  	_ =	shalt  }
0x83: {  	_ =	shalt  }
0x84: {  	_ =	shalt  }
0x85: {  	_ =	shalt  }
0x86: {  	_ =	shalt  }
0x87: {  	_ =	shalt  }
.Lfunc_end0:
.L_simem_size_0:
called_computation_lowered:
.L_overlay_start_0:
0x88: {  	s2 =	sld [smem:$0x3FD9]  }
0x89: {  	s3 =	sld [smem:$0x3FFE];
	_ =	sdelay $0x1  }
0x8a: {  	s1 =	srdreg.scid  }
0x8b: {  	s0 =	sand.u32 $0x1, s1  }
0x8c: {  	s18 =	sshll.u32 s0, $0xA;
	s2 =	sadd.s32 s3, s2  }
0x8d: {  	s2 =	sadd.s32 s2, s18  }
0x8e: {  	[smem:$0x3FC7] =	sst s2  }
0x8f: {  	_ = 	snop  }
0x90: {  	s2 =	sld [smem:$0x3FC9]  }
0x91: {  	s19 =	sld [smem:$0x3FD0];
	(tm) =	ssettm $0x1  }
0x92: {  	s4 =	sld [smem:$0x3FFB];
	_ =	sdelay $0x3  }
0x93: {  	_ =	strace s4  }
0x94: {  	s4 =	sld [smem:$0x3FFC];
	_ =	sdelay $0x3  }
0x95: {  	_ =	strace s4  }
0x96: {  	s4 =	sld [smem:$0x3FFD];
	_ =	sdelay $0x3  }
0x97: {  	_ =	strace s4  }
0x98: {  	_ =	strace $0x8FFFFFFF  }
0x99: {  	s20 =	sld [smem:$0x3FDB];
	_ =	sdelay $0x1  }
0x9a: {  	s5 =	simm.s32 $_scs_section_size  }
0x9b: {  	s6 =	simm.s32 $_size__tile_overlayer_lowered;
	s7 =	simm.s32 $_tile_overlayer_lowered  }
0x9c: {  	s23 =	simm.s32 $0x1BFF;
	s22 =	sshll.u32 s7, $0x1;
	s4 =	sadd.s32 s5, s20  }
0x9d: {  	s8 =	simm.s32 $0x0;
	s21 =	sshll.u32 s6, $0x1;
	s6 =	sadd.s32 s22, s4  }
0x9e: {  	[timem:s8], [sflag:s23] =	dma.local [hbm:s6], s21  }
0x9f: {  	_ =	swait.ge [sflag:s23], s21  }
0xa0: {  	s5 =	ssub.s32 $0x0, s21;
	[sflag:s23] =	ssyncset.done $0x0  }
0xa1: {  	[sflag:s23] =	ssyncadd.s32 s5;
	_ =	sdelay $0x1  }
0xa2: {  	s24 =	simm.s32 $0x1B8B  }
0xa3: {  	_ =	swait.ge [sflag:s24], $0x1  }
0xa4: {  	[sflag:s24] =	ssyncset.done $0x0  }
0xa5: {  	s25 =	simm.s32 $0x1B8E;
	[sflag:s24] =	ssyncadd.s32 $0xFFFFFFFF  }
0xa6: {  	s26 =	simm.s32 $execute0_lowered;
	[smem:$0x3FD2] =	sst s25  }
0xa7: {  	s5 =	sshll.u32 s26, $0x1;
	_ =	strace $0x80000046;
	[dreg:$0x1] =	wrdreg $0xFFFFFFFF  }
0xa8: {  	s28 =	simm.s32 $_size_execute0_lowered;
	s4 =	sadd.s32 s4, s5;
	[dreg:$0x0] =	wrdreg $0x0  }
0xa9: {  	s5 =	sshll.u32 s28, $0x1;
	[dreg:$0x2] =	wrdreg s4  }
0xaa: {  	[dreg:$0x3] =	wrdreg s5  }
0xab: {  	[dreg:$0x4] =	wrdreg $0xC0  }
0xac: {  	_ =	task [dreg:s8], $0x5FFFF  }
0xad: {  	[dreg:$0x1] =	wrdreg $0xFFFFFFFF  }
0xae: {  	[dreg:$0x0] =	wrdreg $0x60  }
0xaf: {  	[dreg:$0x2] =	wrdreg s2  }
0xb0: {  	[dreg:$0x3] =	wrdreg s19  }
0xb1: {  	[dreg:$0x4] =	wrdreg $0x9  }
0xb2: {  	_ =	task.clear_ibuf [dreg:s8], $0x5FFFF;
	_ =	strace $0x90000046  }
0xb3: {  	s29 =	simm.s32 $0x9;
	_ =	strace $0x80000048  }
0xb4: {  	_ =	swait.ge [sflag:s29], $0x1  }
0xb5: {  	[sflag:s29] =	ssyncadd.s32 $0xFFFFFFFF  }
0xb6: {  	_ =	strace $0x90000048  }
0xb7: {  	_ =	sfence  }
0xb8: {  	s30 =	sld [smem:$0x0];
	_ =	sdelay $0x2  }
0xb9: {  	s31 =	sshll.u32 s1, $0xD;
	s1 =	sshrl.u32 s1, $0x2  }
0xba: {  	s3 =	sand.u32 $0x4000, s31;
	s1 =	sadd.s32 s1, s30  }
0xbb: {  	s0 =	sor.u32 s3, s0;
	s1 =	sshll.u32 s1, $0x11  }
0xbc: {  	s0 =	sor.u32 s1, s0  }
0xbd: {  	s0 =	sadd.s32 $0x8F2B, s0  }
0xbe: {  	[sflag:s0] =	ssyncadd.remote.s32 $0x1  }
0xbf: {  	_ =	sfence.sel $0xFFFF  }
0xc0: {  	[dreg:$0x0] =	wrdreg $0xFFFFFFFF;
	(pc) =	sbr.abs _section_cstart, $3  }
0xc1: {  	[dreg:$0x1] =	wrdreg $0xFFFFFFFF  }
0xc2: {  	_ =	task.clear_ibuf [dreg:s8], $0x2FFFF;
	_ =	strace $0x9FFFFFFF  }
0xc3: {  	(tm) =	ssettm $0x7FFFFFFF  }
tec
execute0_lowered:
.L_overlay_start_1:
0x0: {  	(tag) =	ssettag $0x1  }
0x1: {  	s0 =	rddreg [dreg:$0x0]  }
0x2: {  	s1 =	rddreg [dreg:$0x1]  }
0x3: {  	s2 =	srdreg.scid;
	s4 =	stileid.u32  }
0x4: {  	p0 =	por $0x0, $0x0;
	s3 =	sand.u32 $0x1, s2;
	s2 =	simm.s32 $0x0  }
0x5: {  	s4 =	sshll.u32 s4, $0x10;
	s5 =	sshll.u32 s3, $0xF;
	[smem:$0x7FF] =	sst s2  }
0x6: {  	s3 =	ssub.s32 $0x2, s3;
	s4 =	sor.u32 s5, s4;
	_ =	strace $0x80000047  }
0x7: {  	s5 =	sadd.s32 s0, s4;
	s6 =	sor.u32 $0x400, s4;
	s31 =	sadd.s32 s1, s4  }
0x8: {  	s7 =	sor.u32 $0x2400, s4;
	s14 =	sor.u32 $0x3400, s4;
	s15 =	sor.u32 $0x5400, s4  }
0x9: {  	s4 =	sor.u32 $0x6400, s4;
	[dreg:$0x3] =	wrdreg s5;
	s8 =	sadd.s32 s0, s6  }
0xa: {  	s9 =	sadd.s32 $0x100000, s31;
	s10 =	sadd.s32 $0x200000, s31;
	s11 =	sadd.s32 $0x300000, s31  }
0xb: {  	s12 =	sadd.s32 s0, s7;
	s13 =	sadd.s32 s1, s6;
	s28 =	sadd.s32 $0x100400, s31  }
0xc: {  	s29 =	sadd.s32 $0x200400, s31;
	s30 =	sadd.s32 $0x300400, s31;
	s26 =	sadd.s32 s0, s14  }
0xd: {  	s22 =	sadd.s32 s1, s7;
	s23 =	sadd.s32 $0x102400, s31;
	s24 =	sadd.s32 $0x202400, s31  }
0xe: {  	s25 =	sadd.s32 $0x302400, s31;
	s21 =	sadd.s32 s0, s15;
	s17 =	sadd.s32 $0x103400, s31  }
0xf: {  	s16 =	sadd.s32 s1, s14;
	s19 =	sadd.s32 $0x203400, s31;
	s20 =	sadd.s32 $0x303400, s31  }
0x10: {  	s14 =	sadd.s32 s0, s4;
	[dreg:$0x4] =	wrdreg s8;
	s8 =	sshrl.u32 s3, $0x1  }
0x11: {  	s5 =	sadd.s32 s1, s4;
	s6 =	sadd.s32 $0x106400, s31;
	s3 =	ssub.s32 s3, s8  }
0x12: {  	s7 =	sadd.s32 $0x206400, s31;
	[dreg:$0x5] =	wrdreg s9;
	s18 =	smax.u32 s3, $0x1  }
0x13: {  	s4 =	simm.s32 $0x3;
	[dreg:$0x6] =	wrdreg s10;
	p1 =	sne.s32 s18, $0x1  }
.Ltmp0:
0x14: {  	[dreg:$0x7] =	wrdreg s11;
	s9 =	sadd.s32 $0x105400, s31;
	(pc) =	sbr.rel @!p1 .LBB2_5-.Ltmp0, $4  }
0x15: {  	[dreg:$0x8] =	wrdreg s12;
	s10 =	sadd.s32 $0x205400, s31;
	s11 =	sadd.s32 $0x305400, s31  }
0x16: {  	[dreg:$0x9] =	wrdreg s13;
	s12 =	sadd.s32 $0x306400, s31;
	s13 =	simm.s32 $0x8000  }
0x17: {  	s8 =	sadd.s32 s1, s15;
	s15 =	simm.s32 $0x2;
	s1 =	rddreg [dreg:$0x3]  }
0x18: {  	s3 =	simm.s32 $0x4;
	s0 =	sadd.s32 $0xFFFFFFFF, s18;
	s18 =	simm.s32 $0x1  }
0x19: {  	[dreg:$0xb] =	wrdreg s0  }
0x1a: {  	[tilespmem:s2], [sflag:$0x1] =	stream.linear.gather [hbm4b:s1+s2], $0x2000, $0x38;
	[tilespmem:$0x18000] =	vst v63  }
0x1b: {  	s0 =	rddreg [dreg:$0x4]  }
0x1c: {  	[tilespmem:s13], [sflag:$0x2] =	stream.linear.gather [hbm4b:s0+s2], $0x10000, $0x38;
	[tilespmem:$0x18000] =	vst v63  }
0x1d: {  	_ =	swait.ge [sflag:s18], $0x2000  }
0x1e: {  	[sflag:s18] =	ssyncset.done $0x0  }
0x1f: {  	[sflag:s18] =	ssyncadd.s32 $0xFFFFE000  }
0x20: {  	[hbm4b:s31+s2] =	stream.linear.scatter [tilespmem:s2], [sflag:$0x3], $0x2000, $0x38;
	[tilespmem:$0x18000] =	vst v63  }
0x21: {  	s0 =	rddreg [dreg:$0x5]  }
0x22: {  	[hbm4b:s0+s2] =	stream.linear.scatter [tilespmem:s2], [sflag:$0x3], $0x2000, $0x38;
	[tilespmem:$0x18000] =	vst v63  }
0x23: {  	s1 =	rddreg [dreg:$0x6]  }
0x24: {  	[hbm4b:s1+s2] =	stream.linear.scatter [tilespmem:s2], [sflag:$0x3], $0x2000, $0x38;
	[tilespmem:$0x18000] =	vst v63  }
0x25: {  	s0 =	rddreg [dreg:$0x7]  }
0x26: {  	[hbm4b:s0+s2] =	stream.linear.scatter [tilespmem:s2], [sflag:$0x3], $0x2000, $0x38;
	[tilespmem:$0x18000] =	vst v63  }
0x27: {  	_ =	swait.ge [sflag:s4], $0x2000  }
0x28: {  	[sflag:s4] =	ssyncset.done $0x0  }
0x29: {  	[sflag:s4] =	ssyncadd.s32 $0xFFFFE000  }
0x2a: {  	_ =	swait.ge [sflag:s4], $0x2000  }
0x2b: {  	[sflag:s4] =	ssyncset.done $0x0  }
0x2c: {  	[sflag:s4] =	ssyncadd.s32 $0xFFFFE000  }
0x2d: {  	_ =	swait.ge [sflag:s4], $0x2000  }
0x2e: {  	[sflag:s4] =	ssyncset.done $0x0  }
0x2f: {  	[sflag:s4] =	ssyncadd.s32 $0xFFFFE000  }
0x30: {  	_ =	swait.ge [sflag:s4], $0x2000  }
0x31: {  	[sflag:s4] =	ssyncset.done $0x0  }
0x32: {  	s1 =	rddreg [dreg:$0x8];
	[sflag:s4] =	ssyncadd.s32 $0xFFFFE000  }
0x33: {  	[tilespmem:s2], [sflag:$0x1] =	stream.linear.gather [hbm4b:s1+s2], $0x8000, $0x38;
	[tilespmem:$0x18000] =	vst v63  }
0x34: {  	_ =	swait.ge [sflag:s15], $0x10000  }
0x35: {  	[sflag:s15] =	ssyncset.done $0x0  }
0x36: {  	s1 =	rddreg [dreg:$0x9];
	[sflag:s15] =	ssyncadd.s32 $0xFFFF0000  }
0x37: {  	[hbm4b:s1+s2] =	stream.linear.scatter [tilespmem:s13], [sflag:$0x4], $0x10000, $0x38;
	[tilespmem:$0x18000] =	vst v63  }
0x38: {  	_ = 	snop  }
0x39: {  	[hbm4b:s28+s2] =	stream.linear.scatter [tilespmem:s13], [sflag:$0x4], $0x10000, $0x38;
	[tilespmem:$0x18000] =	vst v63  }
0x3a: {  	_ = 	snop  }
0x3b: {  	[hbm4b:s29+s2] =	stream.linear.scatter [tilespmem:s13], [sflag:$0x4], $0x10000, $0x38;
	[tilespmem:$0x18000] =	vst v63  }
0x3c: {  	_ = 	snop  }
0x3d: {  	[hbm4b:s30+s2] =	stream.linear.scatter [tilespmem:s13], [sflag:$0x4], $0x10000, $0x38;
	[tilespmem:$0x18000] =	vst v63  }
0x3e: {  	_ =	swait.ge [sflag:s3], $0x10000  }
0x3f: {  	[sflag:s3] =	ssyncset.done $0x0  }
0x40: {  	[sflag:s3] =	ssyncadd.s32 $0xFFFF0000  }
0x41: {  	_ =	swait.ge [sflag:s3], $0x10000  }
0x42: {  	[sflag:s3] =	ssyncset.done $0x0  }
0x43: {  	[sflag:s3] =	ssyncadd.s32 $0xFFFF0000  }
0x44: {  	_ =	swait.ge [sflag:s3], $0x10000  }
0x45: {  	[sflag:s3] =	ssyncset.done $0x0  }
0x46: {  	[sflag:s3] =	ssyncadd.s32 $0xFFFF0000  }
0x47: {  	_ =	swait.ge [sflag:s3], $0x10000  }
0x48: {  	[sflag:s3] =	ssyncset.done $0x0  }
0x49: {  	[sflag:s3] =	ssyncadd.s32 $0xFFFF0000  }
0x4a: {  	[tilespmem:s13], [sflag:$0x2] =	stream.linear.gather [hbm4b:s26+s2], $0x10000, $0x38;
	[tilespmem:$0x18000] =	vst v63  }
0x4b: {  	_ =	swait.ge [sflag:s18], $0x8000  }
0x4c: {  	[sflag:s18] =	ssyncset.done $0x0  }
0x4d: {  	[sflag:s18] =	ssyncadd.s32 $0xFFFF8000  }
0x4e: {  	[hbm4b:s22+s2] =	stream.linear.scatter [tilespmem:s2], [sflag:$0x3], $0x8000, $0x38;
	[tilespmem:$0x18000] =	vst v63  }
0x4f: {  	_ = 	snop  }
0x50: {  	[hbm4b:s23+s2] =	stream.linear.scatter [tilespmem:s2], [sflag:$0x3], $0x8000, $0x38;
	[tilespmem:$0x18000] =	vst v63  }
0x51: {  	_ = 	snop  }
0x52: {  	[hbm4b:s24+s2] =	stream.linear.scatter [tilespmem:s2], [sflag:$0x3], $0x8000, $0x38;
	[tilespmem:$0x18000] =	vst v63  }
0x53: {  	_ = 	snop  }
0x54: {  	[hbm4b:s25+s2] =	stream.linear.scatter [tilespmem:s2], [sflag:$0x3], $0x8000, $0x38;
	[tilespmem:$0x18000] =	vst v63  }
0x55: {  	_ =	swait.ge [sflag:s4], $0x8000  }
0x56: {  	[sflag:s4] =	ssyncset.done $0x0  }
0x57: {  	[sflag:s4] =	ssyncadd.s32 $0xFFFF8000  }
0x58: {  	_ =	swait.ge [sflag:s4], $0x8000  }
0x59: {  	[sflag:s4] =	ssyncset.done $0x0  }
0x5a: {  	[sflag:s4] =	ssyncadd.s32 $0xFFFF8000  }
0x5b: {  	_ =	swait.ge [sflag:s4], $0x8000  }
0x5c: {  	[sflag:s4] =	ssyncset.done $0x0  }
0x5d: {  	[sflag:s4] =	ssyncadd.s32 $0xFFFF8000  }
0x5e: {  	_ =	swait.ge [sflag:s4], $0x8000  }
0x5f: {  	[sflag:s4] =	ssyncset.done $0x0  }
0x60: {  	[sflag:s4] =	ssyncadd.s32 $0xFFFF8000  }
0x61: {  	[tilespmem:s2], [sflag:$0x1] =	stream.linear.gather [hbm4b:s21+s2], $0x8000, $0x38;
	[tilespmem:$0x18000] =	vst v63  }
0x62: {  	_ =	swait.ge [sflag:s15], $0x10000  }
0x63: {  	[sflag:s15] =	ssyncset.done $0x0  }
0x64: {  	[sflag:s15] =	ssyncadd.s32 $0xFFFF0000  }
0x65: {  	[hbm4b:s16+s2] =	stream.linear.scatter [tilespmem:s13], [sflag:$0x4], $0x10000, $0x38;
	[tilespmem:$0x18000] =	vst v63  }
0x66: {  	_ = 	snop  }
0x67: {  	[hbm4b:s17+s2] =	stream.linear.scatter [tilespmem:s13], [sflag:$0x4], $0x10000, $0x38;
	[tilespmem:$0x18000] =	vst v63  }
0x68: {  	_ = 	snop  }
0x69: {  	[hbm4b:s19+s2] =	stream.linear.scatter [tilespmem:s13], [sflag:$0x4], $0x10000, $0x38;
	[tilespmem:$0x18000] =	vst v63  }
0x6a: {  	_ = 	snop  }
0x6b: {  	[hbm4b:s20+s2] =	stream.linear.scatter [tilespmem:s13], [sflag:$0x4], $0x10000, $0x38;
	[tilespmem:$0x18000] =	vst v63  }
0x6c: {  	_ =	swait.ge [sflag:s3], $0x10000  }
0x6d: {  	[sflag:s3] =	ssyncset.done $0x0  }
0x6e: {  	[sflag:s3] =	ssyncadd.s32 $0xFFFF0000  }
0x6f: {  	_ =	swait.ge [sflag:s3], $0x10000  }
0x70: {  	[sflag:s3] =	ssyncset.done $0x0  }
0x71: {  	[sflag:s3] =	ssyncadd.s32 $0xFFFF0000  }
0x72: {  	_ =	swait.ge [sflag:s3], $0x10000  }
0x73: {  	[sflag:s3] =	ssyncset.done $0x0  }
0x74: {  	[sflag:s3] =	ssyncadd.s32 $0xFFFF0000  }
0x75: {  	_ =	swait.ge [sflag:s3], $0x10000  }
0x76: {  	[sflag:s3] =	ssyncset.done $0x0  }
0x77: {  	[sflag:s3] =	ssyncadd.s32 $0xFFFF0000  }
0x78: {  	[tilespmem:s13], [sflag:$0x2] =	stream.linear.gather [hbm4b:s14+s2], $0xE000, $0x38;
	[tilespmem:$0x18000] =	vst v63  }
0x79: {  	_ =	swait.ge [sflag:s18], $0x8000  }
0x7a: {  	[sflag:s18] =	ssyncset.done $0x0  }
0x7b: {  	[sflag:s18] =	ssyncadd.s32 $0xFFFF8000  }
0x7c: {  	[hbm4b:s8+s2] =	stream.linear.scatter [tilespmem:s2], [sflag:$0x3], $0x8000, $0x38;
	[tilespmem:$0x18000] =	vst v63  }
0x7d: {  	_ = 	snop  }
0x7e: {  	[hbm4b:s9+s2] =	stream.linear.scatter [tilespmem:s2], [sflag:$0x3], $0x8000, $0x38;
	[tilespmem:$0x18000] =	vst v63  }
0x7f: {  	_ = 	snop  }
0x80: {  	[hbm4b:s10+s2] =	stream.linear.scatter [tilespmem:s2], [sflag:$0x3], $0x8000, $0x38;
	[tilespmem:$0x18000] =	vst v63  }
0x81: {  	_ = 	snop  }
0x82: {  	[hbm4b:s11+s2] =	stream.linear.scatter [tilespmem:s2], [sflag:$0x3], $0x8000, $0x38;
	[tilespmem:$0x18000] =	vst v63  }
0x83: {  	_ =	swait.ge [sflag:s15], $0xE000  }
0x84: {  	[sflag:s15] =	ssyncset.done $0x0  }
0x85: {  	[sflag:s15] =	ssyncadd.s32 $0xFFFF2000  }
0x86: {  	[hbm4b:s5+s2] =	stream.linear.scatter [tilespmem:s13], [sflag:$0x4], $0xE000, $0x38;
	[tilespmem:$0x18000] =	vst v63  }
0x87: {  	_ = 	snop  }
0x88: {  	[hbm4b:s6+s2] =	stream.linear.scatter [tilespmem:s13], [sflag:$0x4], $0xE000, $0x38;
	[tilespmem:$0x18000] =	vst v63  }
0x89: {  	_ = 	snop  }
0x8a: {  	[hbm4b:s7+s2] =	stream.linear.scatter [tilespmem:s13], [sflag:$0x4], $0xE000, $0x38;
	[tilespmem:$0x18000] =	vst v63  }
0x8b: {  	_ = 	snop  }
0x8c: {  	[hbm4b:s12+s2] =	stream.linear.scatter [tilespmem:s13], [sflag:$0x4], $0xE000, $0x38;
	[tilespmem:$0x18000] =	vst v63  }
0x8d: {  	_ =	swait.ge [sflag:s4], $0x8000  }
0x8e: {  	[sflag:s4] =	ssyncset.done $0x0  }
0x8f: {  	[sflag:s4] =	ssyncadd.s32 $0xFFFF8000  }
0x90: {  	_ =	swait.ge [sflag:s4], $0x8000  }
0x91: {  	[sflag:s4] =	ssyncset.done $0x0  }
0x92: {  	[sflag:s4] =	ssyncadd.s32 $0xFFFF8000  }
0x93: {  	_ =	swait.ge [sflag:s4], $0x8000  }
0x94: {  	[sflag:s4] =	ssyncset.done $0x0  }
0x95: {  	[sflag:s4] =	ssyncadd.s32 $0xFFFF8000  }
0x96: {  	_ =	swait.ge [sflag:s4], $0x8000  }
0x97: {  	[sflag:s4] =	ssyncset.done $0x0  }
0x98: {  	[sflag:s4] =	ssyncadd.s32 $0xFFFF8000  }
0x99: {  	_ =	swait.ge [sflag:s3], $0xE000  }
0x9a: {  	[sflag:s3] =	ssyncset.done $0x0  }
0x9b: {  	[sflag:s3] =	ssyncadd.s32 $0xFFFF2000  }
0x9c: {  	_ =	swait.ge [sflag:s3], $0xE000  }
0x9d: {  	[sflag:s3] =	ssyncset.done $0x0  }
0x9e: {  	[sflag:s3] =	ssyncadd.s32 $0xFFFF2000  }
0x9f: {  	_ =	swait.ge [sflag:s3], $0xE000  }
0xa0: {  	s1 =	rddreg [dreg:$0xb]  }
0xa1: {  	p1 =	sne.s32 s1, $0x1  }
.Ltmp1:
0xa2: {  	_ = 	snop;
	(pc) =	sbr.rel @!p1 .LBB2_2-.Ltmp1, $4  }
0xa3: {  	[sflag:s3] =	ssyncset.done $0x0  }
0xa4: {  	[sflag:s3] =	ssyncadd.s32 $0xFFFF2000  }
0xa5: {  	p0 =	por $0x1, $0x1;
	_ =	swait.ge [sflag:s3], $0xE000;
	[dreg:$0xa] =	wrdreg s31  }
0xa6: {  	s0 =	sadd.s32 $0xFFFFFFFF, s1;
	s1 =	rddreg [dreg:$0x3];
	[sflag:s3] =	ssyncset.done $0x0  }
.LBB2_3:
0xa7: {  	[sflag:s3] =	ssyncadd.s32 $0xFFFF2000;
	s31 =	smov.u32 s30;
	s30 =	smov.u32 s29  }
0xa8: {  	s29 =	smov.u32 s28;
	s28 =	smov.u32 s26;
	s26 =	smov.u32 s25  }
0xa9: {  	s25 =	smov.u32 s24;
	s24 =	smov.u32 s23;
	s23 =	smov.u32 s22  }
0xaa: {  	s22 =	smov.u32 s21;
	s21 =	smov.u32 s20;
	s20 =	smov.u32 s19  }
0xab: {  	s19 =	smov.u32 s17;
	s17 =	smov.u32 s16;
	s16 =	smov.u32 s14  }
0xac: {  	s14 =	smov.u32 s12;
	s12 =	smov.u32 s11;
	s11 =	smov.u32 s10  }
0xad: {  	s10 =	smov.u32 s9;
	s9 =	smov.u32 s8;
	s8 =	smov.u32 s7  }
0xae: {  	[tilespmem:s2], [sflag:$0x1] =	stream.linear.gather [hbm4b:s1+s2], $0x2000, $0x38;
	[tilespmem:$0x18000] =	vst v63  }
0xaf: {  	s7 =	smov.u32 s6;
	s6 =	smov.u32 s5;
	s5 =	rddreg [dreg:$0x4]  }
0xb0: {  	[tilespmem:s13], [sflag:$0x2] =	stream.linear.gather [hbm4b:s5+s2], $0x10000, $0x38;
	[tilespmem:$0x18000] =	vst v63  }
0xb1: {  	_ =	swait.ge [sflag:s18], $0x2000  }
0xb2: {  	[sflag:s18] =	ssyncset.done $0x0  }
0xb3: {  	s5 =	rddreg [dreg:$0xa];
	[sflag:s18] =	ssyncadd.s32 $0xFFFFE000  }
0xb4: {  	[hbm4b:s5+s2] =	stream.linear.scatter [tilespmem:s2], [sflag:$0x3], $0x2000, $0x38;
	[tilespmem:$0x18000] =	vst v63  }
0xb5: {  	s1 =	rddreg [dreg:$0x5]  }
0xb6: {  	[hbm4b:s1+s2] =	stream.linear.scatter [tilespmem:s2], [sflag:$0x3], $0x2000, $0x38;
	[tilespmem:$0x18000] =	vst v63  }
0xb7: {  	s5 =	rddreg [dreg:$0x6]  }
0xb8: {  	[hbm4b:s5+s2] =	stream.linear.scatter [tilespmem:s2], [sflag:$0x3], $0x2000, $0x38;
	[tilespmem:$0x18000] =	vst v63  }
0xb9: {  	s1 =	rddreg [dreg:$0x7]  }
0xba: {  	[hbm4b:s1+s2] =	stream.linear.scatter [tilespmem:s2], [sflag:$0x3], $0x2000, $0x38;
	[tilespmem:$0x18000] =	vst v63  }
0xbb: {  	_ =	swait.ge [sflag:s4], $0x2000  }
0xbc: {  	[sflag:s4] =	ssyncset.done $0x0  }
0xbd: {  	[sflag:s4] =	ssyncadd.s32 $0xFFFFE000  }
0xbe: {  	_ =	swait.ge [sflag:s4], $0x2000  }
0xbf: {  	[sflag:s4] =	ssyncset.done $0x0  }
0xc0: {  	s5 =	smov.u32 s6;
	[sflag:s4] =	ssyncadd.s32 $0xFFFFE000  }
0xc1: {  	s6 =	smov.u32 s7;
	s7 =	smov.u32 s8;
	_ =	swait.ge [sflag:s4], $0x2000  }
0xc2: {  	s8 =	smov.u32 s9;
	s9 =	smov.u32 s10;
	[sflag:s4] =	ssyncset.done $0x0  }
0xc3: {  	s10 =	smov.u32 s11;
	s11 =	smov.u32 s12;
	[sflag:s4] =	ssyncadd.s32 $0xFFFFE000  }
0xc4: {  	s12 =	smov.u32 s14;
	s14 =	smov.u32 s16;
	_ =	swait.ge [sflag:s4], $0x2000  }
0xc5: {  	s16 =	smov.u32 s17;
	s17 =	smov.u32 s19;
	[sflag:s4] =	ssyncset.done $0x0  }
0xc6: {  	s19 =	smov.u32 s20;
	s1 =	rddreg [dreg:$0x8];
	[sflag:s4] =	ssyncadd.s32 $0xFFFFE000  }
0xc7: {  	[tilespmem:s2], [sflag:$0x1] =	stream.linear.gather [hbm4b:s1+s2], $0x8000, $0x38;
	[tilespmem:$0x18000] =	vst v63  }
0xc8: {  	s20 =	smov.u32 s21;
	s21 =	smov.u32 s22;
	_ =	swait.ge [sflag:s15], $0x10000  }
0xc9: {  	s22 =	smov.u32 s23;
	s23 =	smov.u32 s24;
	[sflag:s15] =	ssyncset.done $0x0  }
0xca: {  	s24 =	smov.u32 s25;
	s1 =	rddreg [dreg:$0x9];
	[sflag:s15] =	ssyncadd.s32 $0xFFFF0000  }
0xcb: {  	[hbm4b:s1+s2] =	stream.linear.scatter [tilespmem:s13], [sflag:$0x4], $0x10000, $0x38;
	[tilespmem:$0x18000] =	vst v63  }
0xcc: {  	s25 =	smov.u32 s26;
	s26 =	smov.u32 s28;
	s28 =	smov.u32 s29  }
0xcd: {  	[hbm4b:s28+s2] =	stream.linear.scatter [tilespmem:s13], [sflag:$0x4], $0x10000, $0x38;
	[tilespmem:$0x18000] =	vst v63  }
0xce: {  	s29 =	smov.u32 s30  }
0xcf: {  	[hbm4b:s29+s2] =	stream.linear.scatter [tilespmem:s13], [sflag:$0x4], $0x10000, $0x38;
	[tilespmem:$0x18000] =	vst v63  }
0xd0: {  	_ = 	snop  }
0xd1: {  	[hbm4b:s31+s2] =	stream.linear.scatter [tilespmem:s13], [sflag:$0x4], $0x10000, $0x38;
	[tilespmem:$0x18000] =	vst v63  }
0xd2: {  	_ =	swait.ge [sflag:s3], $0x10000  }
0xd3: {  	[sflag:s3] =	ssyncset.done $0x0  }
0xd4: {  	[sflag:s3] =	ssyncadd.s32 $0xFFFF0000  }
0xd5: {  	_ =	swait.ge [sflag:s3], $0x10000  }
0xd6: {  	[sflag:s3] =	ssyncset.done $0x0  }
0xd7: {  	[sflag:s3] =	ssyncadd.s32 $0xFFFF0000  }
0xd8: {  	_ =	swait.ge [sflag:s3], $0x10000  }
0xd9: {  	[sflag:s3] =	ssyncset.done $0x0  }
0xda: {  	[sflag:s3] =	ssyncadd.s32 $0xFFFF0000  }
0xdb: {  	_ =	swait.ge [sflag:s3], $0x10000  }
0xdc: {  	[sflag:s3] =	ssyncset.done $0x0  }
0xdd: {  	[sflag:s3] =	ssyncadd.s32 $0xFFFF0000  }
0xde: {  	[tilespmem:s13], [sflag:$0x2] =	stream.linear.gather [hbm4b:s26+s2], $0x10000, $0x38;
	[tilespmem:$0x18000] =	vst v63  }
0xdf: {  	_ =	swait.ge [sflag:s18], $0x8000  }
0xe0: {  	[sflag:s18] =	ssyncset.done $0x0  }
0xe1: {  	[sflag:s18] =	ssyncadd.s32 $0xFFFF8000  }
0xe2: {  	[hbm4b:s22+s2] =	stream.linear.scatter [tilespmem:s2], [sflag:$0x3], $0x8000, $0x38;
	[tilespmem:$0x18000] =	vst v63  }
0xe3: {  	_ = 	snop  }
0xe4: {  	[hbm4b:s23+s2] =	stream.linear.scatter [tilespmem:s2], [sflag:$0x3], $0x8000, $0x38;
	[tilespmem:$0x18000] =	vst v63  }
0xe5: {  	_ = 	snop  }
0xe6: {  	[hbm4b:s24+s2] =	stream.linear.scatter [tilespmem:s2], [sflag:$0x3], $0x8000, $0x38;
	[tilespmem:$0x18000] =	vst v63  }
0xe7: {  	_ = 	snop  }
0xe8: {  	[hbm4b:s25+s2] =	stream.linear.scatter [tilespmem:s2], [sflag:$0x3], $0x8000, $0x38;
	[tilespmem:$0x18000] =	vst v63  }
0xe9: {  	_ =	swait.ge [sflag:s4], $0x8000  }
0xea: {  	[sflag:s4] =	ssyncset.done $0x0  }
0xeb: {  	[sflag:s4] =	ssyncadd.s32 $0xFFFF8000  }
0xec: {  	_ =	swait.ge [sflag:s4], $0x8000  }
0xed: {  	[sflag:s4] =	ssyncset.done $0x0  }
0xee: {  	[sflag:s4] =	ssyncadd.s32 $0xFFFF8000  }
0xef: {  	_ =	swait.ge [sflag:s4], $0x8000  }
0xf0: {  	[sflag:s4] =	ssyncset.done $0x0  }
0xf1: {  	[sflag:s4] =	ssyncadd.s32 $0xFFFF8000  }
0xf2: {  	_ =	swait.ge [sflag:s4], $0x8000  }
0xf3: {  	[sflag:s4] =	ssyncset.done $0x0  }
0xf4: {  	[sflag:s4] =	ssyncadd.s32 $0xFFFF8000  }
0xf5: {  	[tilespmem:s2], [sflag:$0x1] =	stream.linear.gather [hbm4b:s21+s2], $0x8000, $0x38;
	[tilespmem:$0x18000] =	vst v63  }
0xf6: {  	_ =	swait.ge [sflag:s15], $0x10000  }
0xf7: {  	[sflag:s15] =	ssyncset.done $0x0  }
0xf8: {  	[sflag:s15] =	ssyncadd.s32 $0xFFFF0000  }
0xf9: {  	[hbm4b:s16+s2] =	stream.linear.scatter [tilespmem:s13], [sflag:$0x4], $0x10000, $0x38;
	[tilespmem:$0x18000] =	vst v63  }
0xfa: {  	_ = 	snop  }
0xfb: {  	[hbm4b:s17+s2] =	stream.linear.scatter [tilespmem:s13], [sflag:$0x4], $0x10000, $0x38;
	[tilespmem:$0x18000] =	vst v63  }
0xfc: {  	_ = 	snop  }
0xfd: {  	[hbm4b:s19+s2] =	stream.linear.scatter [tilespmem:s13], [sflag:$0x4], $0x10000, $0x38;
	[tilespmem:$0x18000] =	vst v63  }
0xfe: {  	_ = 	snop  }
0xff: {  	[hbm4b:s20+s2] =	stream.linear.scatter [tilespmem:s13], [sflag:$0x4], $0x10000, $0x38;
	[tilespmem:$0x18000] =	vst v63  }
0x100: {  	_ =	swait.ge [sflag:s3], $0x10000  }
0x101: {  	[sflag:s3] =	ssyncset.done $0x0  }
0x102: {  	[sflag:s3] =	ssyncadd.s32 $0xFFFF0000  }
0x103: {  	_ =	swait.ge [sflag:s3], $0x10000  }
0x104: {  	[sflag:s3] =	ssyncset.done $0x0  }
0x105: {  	[sflag:s3] =	ssyncadd.s32 $0xFFFF0000  }
0x106: {  	_ =	swait.ge [sflag:s3], $0x10000  }
0x107: {  	[sflag:s3] =	ssyncset.done $0x0  }
0x108: {  	[sflag:s3] =	ssyncadd.s32 $0xFFFF0000  }
0x109: {  	_ =	swait.ge [sflag:s3], $0x10000  }
0x10a: {  	[sflag:s3] =	ssyncset.done $0x0  }
0x10b: {  	[sflag:s3] =	ssyncadd.s32 $0xFFFF0000  }
0x10c: {  	[tilespmem:s13], [sflag:$0x2] =	stream.linear.gather [hbm4b:s14+s2], $0xE000, $0x38;
	[tilespmem:$0x18000] =	vst v63  }
0x10d: {  	_ =	swait.ge [sflag:s18], $0x8000  }
0x10e: {  	[sflag:s18] =	ssyncset.done $0x0  }
0x10f: {  	[sflag:s18] =	ssyncadd.s32 $0xFFFF8000  }
0x110: {  	[hbm4b:s8+s2] =	stream.linear.scatter [tilespmem:s2], [sflag:$0x3], $0x8000, $0x38;
	[tilespmem:$0x18000] =	vst v63  }
0x111: {  	_ = 	snop  }
0x112: {  	[hbm4b:s9+s2] =	stream.linear.scatter [tilespmem:s2], [sflag:$0x3], $0x8000, $0x38;
	[tilespmem:$0x18000] =	vst v63  }
0x113: {  	_ = 	snop  }
0x114: {  	[hbm4b:s10+s2] =	stream.linear.scatter [tilespmem:s2], [sflag:$0x3], $0x8000, $0x38;
	[tilespmem:$0x18000] =	vst v63  }
0x115: {  	_ = 	snop  }
0x116: {  	[hbm4b:s11+s2] =	stream.linear.scatter [tilespmem:s2], [sflag:$0x3], $0x8000, $0x38;
	[tilespmem:$0x18000] =	vst v63  }
0x117: {  	_ =	swait.ge [sflag:s15], $0xE000  }
0x118: {  	[sflag:s15] =	ssyncset.done $0x0  }
0x119: {  	[sflag:s15] =	ssyncadd.s32 $0xFFFF2000  }
0x11a: {  	[hbm4b:s5+s2] =	stream.linear.scatter [tilespmem:s13], [sflag:$0x4], $0xE000, $0x38;
	[tilespmem:$0x18000] =	vst v63  }
0x11b: {  	_ = 	snop  }
0x11c: {  	[hbm4b:s6+s2] =	stream.linear.scatter [tilespmem:s13], [sflag:$0x4], $0xE000, $0x38;
	[tilespmem:$0x18000] =	vst v63  }
0x11d: {  	_ = 	snop  }
0x11e: {  	[hbm4b:s7+s2] =	stream.linear.scatter [tilespmem:s13], [sflag:$0x4], $0xE000, $0x38;
	[tilespmem:$0x18000] =	vst v63  }
0x11f: {  	_ = 	snop  }
0x120: {  	[hbm4b:s12+s2] =	stream.linear.scatter [tilespmem:s13], [sflag:$0x4], $0xE000, $0x38;
	[tilespmem:$0x18000] =	vst v63  }
0x121: {  	_ =	swait.ge [sflag:s4], $0x8000  }
0x122: {  	[sflag:s4] =	ssyncset.done $0x0  }
0x123: {  	[sflag:s4] =	ssyncadd.s32 $0xFFFF8000  }
0x124: {  	_ =	swait.ge [sflag:s4], $0x8000  }
0x125: {  	[sflag:s4] =	ssyncset.done $0x0  }
0x126: {  	[sflag:s4] =	ssyncadd.s32 $0xFFFF8000  }
0x127: {  	_ =	swait.ge [sflag:s4], $0x8000  }
0x128: {  	[sflag:s4] =	ssyncset.done $0x0  }
0x129: {  	[sflag:s4] =	ssyncadd.s32 $0xFFFF8000  }
0x12a: {  	_ =	swait.ge [sflag:s4], $0x8000  }
0x12b: {  	[sflag:s4] =	ssyncset.done $0x0  }
0x12c: {  	[sflag:s4] =	ssyncadd.s32 $0xFFFF8000  }
0x12d: {  	_ =	swait.ge [sflag:s3], $0xE000  }
0x12e: {  	[sflag:s3] =	ssyncset.done $0x0  }
0x12f: {  	[sflag:s3] =	ssyncadd.s32 $0xFFFF2000  }
0x130: {  	_ =	swait.ge [sflag:s3], $0xE000  }
0x131: {  	[sflag:s3] =	ssyncset.done $0x0  }
0x132: {  	p1 =	sne.s32 s0, $0x1;
	[sflag:s3] =	ssyncadd.s32 $0xFFFF2000  }
.Ltmp2:
0x133: {  	_ =	swait.ge [sflag:s3], $0xE000;
	(pc) =	sbr.rel @p1 .LBB2_3-.Ltmp2, $4  }
0x134: {  	[sflag:s3] =	ssyncset.done $0x0  }
0x135: {  	[sflag:s3] =	ssyncadd.s32 $0xFFFF2000  }
0x136: {  	s0 =	sadd.s32 $0xFFFFFFFF, s0;
	_ =	swait.ge [sflag:s3], $0xE000  }
0x137: {  	s30 =	smov.u32 s31;
	s1 =	rddreg [dreg:$0x3];
	[sflag:s3] =	ssyncset.done $0x0  }
0x138: {  	s31 =	rddreg [dreg:$0xa]  }
.LBB2_5:
0x139: {  	[sflag:s3] =	ssyncadd.s32 @p0 $0xFFFF2000  }
0x13a: {  	[tilespmem:s2], [sflag:$0x1] =	stream.linear.gather [hbm4b:s1+s2], $0x2000, $0x38;
	[tilespmem:$0x18000] =	vst v63  }
0x13b: {  	s0 =	rddreg [dreg:$0x4]  }
0x13c: {  	[tilespmem:s13], [sflag:$0x2] =	stream.linear.gather [hbm4b:s0+s2], $0x10000, $0x38;
	[tilespmem:$0x18000] =	vst v63  }
0x13d: {  	_ =	swait.ge [sflag:s18], $0x2000  }
0x13e: {  	[sflag:s18] =	ssyncset.done $0x0  }
0x13f: {  	[sflag:s18] =	ssyncadd.s32 $0xFFFFE000  }
0x140: {  	[hbm4b:s31+s2] =	stream.linear.scatter [tilespmem:s2], [sflag:$0x3], $0x2000, $0x38;
	[tilespmem:$0x18000] =	vst v63  }
0x141: {  	s0 =	rddreg [dreg:$0x5]  }
0x142: {  	[hbm4b:s0+s2] =	stream.linear.scatter [tilespmem:s2], [sflag:$0x3], $0x2000, $0x38;
	[tilespmem:$0x18000] =	vst v63  }
0x143: {  	s1 =	rddreg [dreg:$0x6]  }
0x144: {  	[hbm4b:s1+s2] =	stream.linear.scatter [tilespmem:s2], [sflag:$0x3], $0x2000, $0x38;
	[tilespmem:$0x18000] =	vst v63  }
0x145: {  	s31 =	rddreg [dreg:$0x7]  }
0x146: {  	[hbm4b:s31+s2] =	stream.linear.scatter [tilespmem:s2], [sflag:$0x3], $0x2000, $0x38;
	[tilespmem:$0x18000] =	vst v63  }
0x147: {  	_ =	swait.ge [sflag:s4], $0x2000  }
0x148: {  	[sflag:s4] =	ssyncset.done $0x0  }
0x149: {  	[sflag:s4] =	ssyncadd.s32 $0xFFFFE000  }
0x14a: {  	_ =	swait.ge [sflag:s4], $0x2000  }
0x14b: {  	[sflag:s4] =	ssyncset.done $0x0  }
0x14c: {  	[sflag:s4] =	ssyncadd.s32 $0xFFFFE000  }
0x14d: {  	_ =	swait.ge [sflag:s4], $0x2000  }
0x14e: {  	[sflag:s4] =	ssyncset.done $0x0  }
0x14f: {  	[sflag:s4] =	ssyncadd.s32 $0xFFFFE000  }
0x150: {  	_ =	swait.ge [sflag:s4], $0x2000  }
0x151: {  	[sflag:s4] =	ssyncset.done $0x0  }
0x152: {  	s31 =	rddreg [dreg:$0x8];
	[sflag:s4] =	ssyncadd.s32 $0xFFFFE000  }
0x153: {  	[tilespmem:s2], [sflag:$0x1] =	stream.linear.gather [hbm4b:s31+s2], $0x8000, $0x38;
	[tilespmem:$0x18000] =	vst v63  }
0x154: {  	_ =	swait.ge [sflag:s15], $0x10000  }
0x155: {  	[sflag:s15] =	ssyncset.done $0x0  }
0x156: {  	s1 =	rddreg [dreg:$0x9];
	[sflag:s15] =	ssyncadd.s32 $0xFFFF0000  }
0x157: {  	[hbm4b:s1+s2] =	stream.linear.scatter [tilespmem:s13], [sflag:$0x4], $0x10000, $0x38;
	[tilespmem:$0x18000] =	vst v63  }
0x158: {  	_ = 	snop  }
0x159: {  	[hbm4b:s28+s2] =	stream.linear.scatter [tilespmem:s13], [sflag:$0x4], $0x10000, $0x38;
	[tilespmem:$0x18000] =	vst v63  }
0x15a: {  	_ = 	snop  }
0x15b: {  	[hbm4b:s29+s2] =	stream.linear.scatter [tilespmem:s13], [sflag:$0x4], $0x10000, $0x38;
	[tilespmem:$0x18000] =	vst v63  }
0x15c: {  	_ = 	snop  }
0x15d: {  	[hbm4b:s30+s2] =	stream.linear.scatter [tilespmem:s13], [sflag:$0x4], $0x10000, $0x38;
	[tilespmem:$0x18000] =	vst v63  }
0x15e: {  	_ =	swait.ge [sflag:s3], $0x10000  }
0x15f: {  	[sflag:s3] =	ssyncset.done $0x0  }
0x160: {  	[sflag:s3] =	ssyncadd.s32 $0xFFFF0000  }
0x161: {  	_ =	swait.ge [sflag:s3], $0x10000  }
0x162: {  	[sflag:s3] =	ssyncset.done $0x0  }
0x163: {  	[sflag:s3] =	ssyncadd.s32 $0xFFFF0000  }
0x164: {  	_ =	swait.ge [sflag:s3], $0x10000  }
0x165: {  	[sflag:s3] =	ssyncset.done $0x0  }
0x166: {  	[sflag:s3] =	ssyncadd.s32 $0xFFFF0000  }
0x167: {  	_ =	swait.ge [sflag:s3], $0x10000  }
0x168: {  	[sflag:s3] =	ssyncset.done $0x0  }
0x169: {  	[sflag:s3] =	ssyncadd.s32 $0xFFFF0000  }
0x16a: {  	[tilespmem:s13], [sflag:$0x2] =	stream.linear.gather [hbm4b:s26+s2], $0x10000, $0x38;
	[tilespmem:$0x18000] =	vst v63  }
0x16b: {  	_ =	swait.ge [sflag:s18], $0x8000  }
0x16c: {  	[sflag:s18] =	ssyncset.done $0x0  }
0x16d: {  	[sflag:s18] =	ssyncadd.s32 $0xFFFF8000  }
0x16e: {  	[hbm4b:s22+s2] =	stream.linear.scatter [tilespmem:s2], [sflag:$0x3], $0x8000, $0x38;
	[tilespmem:$0x18000] =	vst v63  }
0x16f: {  	_ = 	snop  }
0x170: {  	[hbm4b:s23+s2] =	stream.linear.scatter [tilespmem:s2], [sflag:$0x3], $0x8000, $0x38;
	[tilespmem:$0x18000] =	vst v63  }
0x171: {  	_ = 	snop  }
0x172: {  	[hbm4b:s24+s2] =	stream.linear.scatter [tilespmem:s2], [sflag:$0x3], $0x8000, $0x38;
	[tilespmem:$0x18000] =	vst v63  }
0x173: {  	_ = 	snop  }
0x174: {  	[hbm4b:s25+s2] =	stream.linear.scatter [tilespmem:s2], [sflag:$0x3], $0x8000, $0x38;
	[tilespmem:$0x18000] =	vst v63  }
0x175: {  	_ =	swait.ge [sflag:s4], $0x8000  }
0x176: {  	[sflag:s4] =	ssyncset.done $0x0  }
0x177: {  	[sflag:s4] =	ssyncadd.s32 $0xFFFF8000  }
0x178: {  	_ =	swait.ge [sflag:s4], $0x8000  }
0x179: {  	[sflag:s4] =	ssyncset.done $0x0  }
0x17a: {  	[sflag:s4] =	ssyncadd.s32 $0xFFFF8000  }
0x17b: {  	_ =	swait.ge [sflag:s4], $0x8000  }
0x17c: {  	[sflag:s4] =	ssyncset.done $0x0  }
0x17d: {  	[sflag:s4] =	ssyncadd.s32 $0xFFFF8000  }
0x17e: {  	_ =	swait.ge [sflag:s4], $0x8000  }
0x17f: {  	[sflag:s4] =	ssyncset.done $0x0  }
0x180: {  	[sflag:s4] =	ssyncadd.s32 $0xFFFF8000  }
0x181: {  	[tilespmem:s2], [sflag:$0x1] =	stream.linear.gather [hbm4b:s21+s2], $0x8000, $0x38;
	[tilespmem:$0x18000] =	vst v63  }
0x182: {  	_ =	swait.ge [sflag:s15], $0x10000  }
0x183: {  	[sflag:s15] =	ssyncset.done $0x0  }
0x184: {  	[sflag:s15] =	ssyncadd.s32 $0xFFFF0000  }
0x185: {  	[hbm4b:s16+s2] =	stream.linear.scatter [tilespmem:s13], [sflag:$0x4], $0x10000, $0x38;
	[tilespmem:$0x18000] =	vst v63  }
0x186: {  	_ = 	snop  }
0x187: {  	[hbm4b:s17+s2] =	stream.linear.scatter [tilespmem:s13], [sflag:$0x4], $0x10000, $0x38;
	[tilespmem:$0x18000] =	vst v63  }
0x188: {  	_ = 	snop  }
0x189: {  	[hbm4b:s19+s2] =	stream.linear.scatter [tilespmem:s13], [sflag:$0x4], $0x10000, $0x38;
	[tilespmem:$0x18000] =	vst v63  }
0x18a: {  	_ = 	snop  }
0x18b: {  	[hbm4b:s20+s2] =	stream.linear.scatter [tilespmem:s13], [sflag:$0x4], $0x10000, $0x38;
	[tilespmem:$0x18000] =	vst v63  }
0x18c: {  	_ =	swait.ge [sflag:s3], $0x10000  }
0x18d: {  	[sflag:s3] =	ssyncset.done $0x0  }
0x18e: {  	[sflag:s3] =	ssyncadd.s32 $0xFFFF0000  }
0x18f: {  	_ =	swait.ge [sflag:s3], $0x10000  }
0x190: {  	[sflag:s3] =	ssyncset.done $0x0  }
0x191: {  	[sflag:s3] =	ssyncadd.s32 $0xFFFF0000  }
0x192: {  	_ =	swait.ge [sflag:s3], $0x10000  }
0x193: {  	[sflag:s3] =	ssyncset.done $0x0  }
0x194: {  	[sflag:s3] =	ssyncadd.s32 $0xFFFF0000  }
0x195: {  	_ =	swait.ge [sflag:s3], $0x10000  }
0x196: {  	[sflag:s3] =	ssyncset.done $0x0  }
0x197: {  	[sflag:s3] =	ssyncadd.s32 $0xFFFF0000  }
0x198: {  	[tilespmem:s13], [sflag:$0x2] =	stream.linear.gather [hbm4b:s14+s2], $0xE000, $0x38;
	[tilespmem:$0x18000] =	vst v63  }
0x199: {  	_ =	swait.ge [sflag:s18], $0x8000  }
0x19a: {  	[sflag:s18] =	ssyncset.done $0x0  }
0x19b: {  	[sflag:s18] =	ssyncadd.s32 $0xFFFF8000  }
0x19c: {  	[hbm4b:s8+s2] =	stream.linear.scatter [tilespmem:s2], [sflag:$0x3], $0x8000, $0x38;
	[tilespmem:$0x18000] =	vst v63  }
0x19d: {  	_ = 	snop  }
0x19e: {  	[hbm4b:s9+s2] =	stream.linear.scatter [tilespmem:s2], [sflag:$0x3], $0x8000, $0x38;
	[tilespmem:$0x18000] =	vst v63  }
0x19f: {  	_ = 	snop  }
0x1a0: {  	[hbm4b:s10+s2] =	stream.linear.scatter [tilespmem:s2], [sflag:$0x3], $0x8000, $0x38;
	[tilespmem:$0x18000] =	vst v63  }
0x1a1: {  	_ = 	snop  }
0x1a2: {  	[hbm4b:s11+s2] =	stream.linear.scatter [tilespmem:s2], [sflag:$0x3], $0x8000, $0x38;
	[tilespmem:$0x18000] =	vst v63  }
0x1a3: {  	_ =	swait.ge [sflag:s15], $0xE000  }
0x1a4: {  	[sflag:s15] =	ssyncset.done $0x0  }
0x1a5: {  	[sflag:s15] =	ssyncadd.s32 $0xFFFF2000  }
0x1a6: {  	[hbm4b:s5+s2] =	stream.linear.scatter [tilespmem:s13], [sflag:$0x4], $0xE000, $0x38;
	[tilespmem:$0x18000] =	vst v63  }
0x1a7: {  	_ = 	snop  }
0x1a8: {  	[hbm4b:s6+s2] =	stream.linear.scatter [tilespmem:s13], [sflag:$0x4], $0xE000, $0x38;
	[tilespmem:$0x18000] =	vst v63  }
0x1a9: {  	_ = 	snop  }
0x1aa: {  	[hbm4b:s7+s2] =	stream.linear.scatter [tilespmem:s13], [sflag:$0x4], $0xE000, $0x38;
	[tilespmem:$0x18000] =	vst v63  }
0x1ab: {  	_ = 	snop  }
0x1ac: {  	[hbm4b:s12+s2] =	stream.linear.scatter [tilespmem:s13], [sflag:$0x4], $0xE000, $0x38;
	[tilespmem:$0x18000] =	vst v63  }
0x1ad: {  	_ =	swait.ge [sflag:s4], $0x8000  }
0x1ae: {  	[sflag:s4] =	ssyncset.done $0x0  }
0x1af: {  	[sflag:s4] =	ssyncadd.s32 $0xFFFF8000  }
0x1b0: {  	_ =	swait.ge [sflag:s4], $0x8000  }
0x1b1: {  	[sflag:s4] =	ssyncset.done $0x0  }
0x1b2: {  	[sflag:s4] =	ssyncadd.s32 $0xFFFF8000  }
0x1b3: {  	_ =	swait.ge [sflag:s4], $0x8000  }
0x1b4: {  	[sflag:s4] =	ssyncset.done $0x0  }
0x1b5: {  	[sflag:s4] =	ssyncadd.s32 $0xFFFF8000  }
0x1b6: {  	_ =	swait.ge [sflag:s4], $0x8000  }
0x1b7: {  	[sflag:s4] =	ssyncset.done $0x0  }
0x1b8: {  	[sflag:s4] =	ssyncadd.s32 $0xFFFF8000  }
0x1b9: {  	_ =	swait.ge [sflag:s3], $0xE000  }
0x1ba: {  	[sflag:s3] =	ssyncset.done $0x0  }
0x1bb: {  	[sflag:s3] =	ssyncadd.s32 $0xFFFF2000  }
0x1bc: {  	_ =	swait.ge [sflag:s3], $0xE000  }
0x1bd: {  	[sflag:s3] =	ssyncset.done $0x0  }
0x1be: {  	[sflag:s3] =	ssyncadd.s32 $0xFFFF2000  }
0x1bf: {  	_ =	swait.ge [sflag:s3], $0xE000  }
0x1c0: {  	[sflag:s3] =	ssyncset.done $0x0  }
0x1c1: {  	[sflag:s3] =	ssyncadd.s32 $0xFFFF2000  }
0x1c2: {  	_ =	swait.ge [sflag:s3], $0xE000  }
0x1c3: {  	[sflag:s3] =	ssyncset.done $0x0  }
0x1c4: {  	[sflag:s3] =	ssyncadd.s32 $0xFFFF2000  }
0x1c5: {  	_ =	sfence.sel $0x180000  }
0x1c6: {  	[bflag:$0x0] =	sbarrier.arrive $0xFFFF  }
0x1c7: {  	_ =	strace $0x90000047  }
0x1c8: {  	s31 =	stileid.u32;
	[bflag:$0x2] =	sbarrier.arrive $0xFFFF  }
0x1c9: {  	p0 =	sne.s32 s31, $0x0;
	s0 =	rddreg [dreg:$0x2]  }
0x1ca: {  	s0 =	sadd.s32 @!p0 $0x100000, s0  }
0x1cb: {  	[sflag:s0] =	ssyncadd.tile.s32 @!p0 $0x1;
	_ =	shalt  }
.LBB2_2:
.Ltmp3:
0x1cc: {  	(pc) =	sbr.rel .LBB2_5-.Ltmp3, $2  }
0x1cd: {  	_ =	sdelay $0x2  }
0x1ce: {  	s31 =	rddreg [dreg:$0xa]  }
.Lfunc_end2:
_tile_overlayer_lowered:
.L_overlay_start_2:
0x1cf: {  	(tag) =	ssettag $0x2  }
0x1d0: {  	s0 =	rddreg [dreg:$0x0];
	s2 =	stileid.u32  }
0x1d1: {  	s1 =	rddreg [dreg:$0x1];
	p0 =	sne.s32 s2, $0x0  }
0x1d2: {  	s3 =	rddreg [dreg:$0x2];
	[bflag:$0x3] =	sbarrier.arrive $0xFFFF;
	s2 =	simm.s32 @!p0 $0x1C05  }
0x1d3: {  	[timem:s3], [sflag:s2] =	dma.local @!p0 [hbm:s0], s1  }
0x1d4: {  	s0 =	simm.s32 @!p0 $0x5  }
0x1d5: {  	_ =	swait.ge @!p0 [sflag:s0], s1  }
0x1d6: {  	s1 =	ssub.s32 @!p0 $0x0, s1;
	[sflag:s0] =	ssyncset.done @!p0 $0x0  }
0x1d7: {  	[sflag:s0] =	ssyncadd.s32 @!p0 s1  }
0x1d8: {  	[bflag:$0x3] =	sbarrier.arrive $0xFFFF  }
0x1d9: {  	_ =	shalt  }

</sc_bundles>
